<compile_context>
chip_gen: v7x
topology: tpu7x:2x2x1
jax: 0.10.2.dev20260603
libtpu: 0.0.44.dev20260713+nightly
codegen_flags: <defaults>
</compile_context>

<pallas_src>
import functools

import jax
import jax.numpy as jnp
from jax import lax
from jax.experimental import pallas as pl
from jax.experimental.pallas import tpu as pltpu
from jax.experimental.pallas import tpu_sc as plsc

N_E = 8192
E_DIM = 256
BETA = 0.25
TOKENS = 8192

R = 512
C = 512
NR = TOKENS // R
NCT = N_E // C


CHUNK = 2048
NCH = N_E // CHUNK


def _argmin_body(z_ref, rs_ref, e_ref, idx_ref, accval, minidx):
    c = pl.program_id(1)
    zb = z_ref[...]
    rowsum = rs_ref[0, 0, :]

    @pl.when(c == 0)
    def _init():
        accval[...] = jnp.full((R,), jnp.inf, jnp.float32)
        minidx[...] = jnp.zeros((R,), jnp.int32)

    eb = e_ref[pl.ds(c * CHUNK, CHUNK), :]
    m = lax.dot_general(zb.astype(jnp.bfloat16), eb.astype(jnp.bfloat16),
                        (((1,), (1,)), ((), ())),
                        preferred_element_type=jnp.float32)
    colsum = jnp.sum(eb * eb, axis=1)
    d = (rowsum[:, None] + colsum[None, :]) - 2.0 * m
    cols = c * CHUNK + lax.broadcasted_iota(jnp.int32, (R, CHUNK), 1)
    mv = jnp.min(d, axis=1)
    mi = jnp.min(jnp.where(d == mv[:, None], cols, jnp.int32(2**31 - 1)),
                 axis=1)
    win = mv < accval[...]
    tie = jnp.logical_and(mv == accval[...], mi < minidx[...])
    minidx[...] = jnp.where(jnp.logical_or(win, tie), mi, minidx[...])
    u = lax.bitcast_convert_type(mv, jnp.uint32)
    rb = ((u >> 16) & jnp.uint32(1)) + jnp.uint32(0x7FFF)
    mv_b = lax.bitcast_convert_type((u + rb) & jnp.uint32(0xFFFF0000),
                                    jnp.float32)
    accval[...] = jnp.where(win, mv_b, accval[...])

    @pl.when(c == NCH - 1)
    def _write():
        idx_ref[0, 0, :] = minidx[...]


def _run_argmin(z_flat, rowsums, e_padded):
    return pl.pallas_call(
        _argmin_body,
        grid=(NR, NCH),
        in_specs=[
            pl.BlockSpec((R, E_DIM), lambda r, c: (r, 0)),
            pl.BlockSpec((1, 1, R), lambda r, c: (r, 0, 0)),
            pl.BlockSpec((N_E, E_DIM), lambda r, c: (0, 0)),
        ],
        out_specs=pl.BlockSpec((1, 1, R), lambda r, c: (r, 0, 0)),
        out_shape=jax.ShapeDtypeStruct((NR, 1, R), jnp.int32),
        scratch_shapes=[
            pltpu.VMEM((R,), jnp.float32),
            pltpu.VMEM((R,), jnp.int32),
        ],
    )(z_flat, rowsums, e_padded)


def _make_sc_gather():
    info = plsc.get_sparse_core_info()
    nc, ns = info.num_cores, info.num_subcores
    nw = nc * ns
    bpw = TOKENS // nw
    nt = bpw // 128
    mesh = plsc.VectorSubcoreMesh(core_axis_name="c", subcore_axis_name="s")

    @functools.partial(
        pl.kernel, mesh=mesh,
        out_type=jax.ShapeDtypeStruct((TOKENS, E_DIM), jnp.float32),
        scratch_types=[
            pltpu.VMEM((nt, 128), jnp.int32),
            pltpu.VMEM((nt, 128, E_DIM), jnp.float32),
            pltpu.SemaphoreType.DMA,
        ],
    )
    def gather_rows(table_hbm, idx_hbm, out_hbm, idx_v, rows_v, sem):
        wid = lax.axis_index("s") * nc + lax.axis_index("c")
        base = wid * bpw
        pltpu.sync_copy(idx_hbm.at[wid], idx_v)
        for j in range(nt):
            pltpu.async_copy(table_hbm.at[idx_v.at[j]], rows_v.at[j],
                             sem).wait()
            pltpu.sync_copy(rows_v.at[j],
                            out_hbm.at[pl.ds(base + j * 128, 128)])

    return gather_rows


def _emit_body(idx_ref, z_ref, zq_ref, oh_ref, zqout_ref, loss_ref, perp_ref,
               counts, acc):
    r = pl.program_id(0)
    c = pl.program_id(1)
    idx = idx_ref[0, 0, :]
    cols = c * C + lax.broadcasted_iota(jnp.int32, (R, C), 1)
    oh = jnp.where(cols == idx[:, None], 1.0, 0.0).astype(jnp.float32)
    oh_ref[...] = oh
    csum = jnp.sum(oh, axis=0).reshape(1, C)

    @pl.when(r == 0)
    def _c0():
        counts[pl.ds(c, 1), :] = csum

    @pl.when(r > 0)
    def _cacc():
        counts[pl.ds(c, 1), :] = counts[pl.ds(c, 1), :] + csum

    @pl.when(c == 0)
    def _zq():
        zb = z_ref[...]
        qb = zq_ref[...]
        zqout_ref[...] = zb + (qb - zb)
        part = jnp.sum((qb - zb) ** 2)

        @pl.when(r == 0)
        def _():
            acc[0] = part

        @pl.when(r > 0)
        def _():
            acc[0] = acc[0] + part

    @pl.when(jnp.logical_and(r == NR - 1, c == NCT - 1))
    def _final():
        t = acc[0] / jnp.float32(TOKENS * E_DIM)
        loss_ref[...] = jnp.full((8, 128), t + BETA * t, jnp.float32)
        em = counts[...] * jnp.float32(1.0 / TOKENS)
        perp = jnp.exp(-jnp.sum(em * jnp.log(em + 1e-10)))
        perp_ref[...] = jnp.full((8, 128), perp, jnp.float32)


def _run_emit(idx3, z_flat, zq_rows):
    return pl.pallas_call(
        _emit_body,
        grid=(NR, NCT),
        in_specs=[
            pl.BlockSpec((1, 1, R), lambda r, c: (r, 0, 0)),
            pl.BlockSpec((R, E_DIM), lambda r, c: (r, 0)),
            pl.BlockSpec((R, E_DIM), lambda r, c: (r, 0)),
        ],
        out_specs=[
            pl.BlockSpec((R, C), lambda r, c: (r, c)),
            pl.BlockSpec((R, E_DIM), lambda r, c: (r, 0)),
            pl.BlockSpec((8, 128), lambda r, c: (0, 0)),
            pl.BlockSpec((8, 128), lambda r, c: (0, 0)),
        ],
        out_shape=[
            jax.ShapeDtypeStruct((TOKENS, N_E), jnp.float32),
            jax.ShapeDtypeStruct((TOKENS, E_DIM), jnp.float32),
            jax.ShapeDtypeStruct((8, 128), jnp.float32),
            jax.ShapeDtypeStruct((8, 128), jnp.float32),
        ],
        scratch_shapes=[
            pltpu.VMEM((NCT, C), jnp.float32),
            pltpu.SMEM((1,), jnp.float32),
        ],
    )(idx3, z_flat, zq_rows)


def kernel(z, embedding_weight):
    z_flat = z.reshape(TOKENS, E_DIM)
    rowsums = jnp.sum(z_flat ** 2, axis=1).reshape(NR, 1, R)
    idx3 = _run_argmin(z_flat, rowsums, embedding_weight)
    idx_flat = idx3.reshape(TOKENS)
    zq_rows = _make_sc_gather()(embedding_weight,
                                idx_flat.reshape(32, TOKENS // 32 // 128, 128))
    oh, zq_out, lossb, perpb = _run_emit(idx3, z_flat, zq_rows)
    loss = lossb[0, 0]
    perplexity = perpb[0, 0]
    return (loss, zq_out.reshape(z.shape), perplexity, oh,
            idx_flat[:, None].astype(jnp.int32))

# --- scband reference (transcript-rebuilt; emitter-appended) ---
"""Pipeline reference for scband-vector-quantizer-4303557230884 (READ-ONLY COPY).

The authoritative reference and input builder live on the scoring server;
editing this copy changes nothing except your own understanding.
"""

import jax, jax.numpy as jnp
import numpy as np

N_E = 8192
E_DIM = 256
BETA = 0.25

def setup_inputs(seed: int = 0):
    key = jax.random.key(seed)
    k1, k2 = jax.random.split(key)
    z = jax.random.normal(k1, (8, 1024, 256), dtype=jnp.float32)
    embedding_weight = jax.random.uniform(k2, (N_E, E_DIM), minval=-1.0 / N_E, maxval=1.0 / N_E, dtype=jnp.float32)
    return {"z": z, "embedding_weight": embedding_weight}

def reference(z, embedding_weight):
    # flatten (b, l, c) -> (b*l, c)
    z_flattened = z.reshape(-1, E_DIM)
    # squared L2 distance to every codebook entry
    d = (jnp.sum(z_flattened ** 2, axis=1, keepdims=True)
         + jnp.sum(embedding_weight ** 2, axis=1)
         - 2.0 * jnp.matmul(z_flattened, embedding_weight.T))
    min_encoding_indices = jnp.argmin(d, axis=1)[:, None]
    # scatter ones -> one-hot encodings (faithful to torch scatter_)
    min_encodings = jnp.zeros((min_encoding_indices.shape[0], N_E), dtype=jnp.float32)
    min_encodings = min_encodings.at[jnp.arange(min_encoding_indices.shape[0]), min_encoding_indices[:, 0]].set(1.0)
    # quantized latents via one-hot matmul (as in reference)
    z_q = jnp.matmul(min_encodings, embedding_weight).reshape(z.shape)
    # commitment + codebook loss
    loss = (jnp.mean((jax.lax.stop_gradient(z_q) - z) ** 2)
            + BETA * jnp.mean((z_q - jax.lax.stop_gradient(z)) ** 2))
    # straight-through estimator
    z_q = z + jax.lax.stop_gradient(z_q - z)
    # perplexity of code usage
    e_mean = jnp.mean(min_encodings, axis=0)
    perplexity = jnp.exp(-jnp.sum(e_mean * jnp.log(e_mean + 1e-10)))
    return (loss, z_q, perplexity, min_encodings, min_encoding_indices)

if __name__ == "__main__":
    import jax
    _d = setup_inputs()
    print(jax.jit(kernel)(*tuple(_d.values())))

</pallas_src>

<mosaic_0001>
#map = affine_map<(d0, d1) -> (0, 0)>
#map1 = affine_map<(d0, d1) -> (0, 0, 0)>
module attributes {stable_mosaic.version = 14 : i64} {
  func.func @gather_rows(%arg0: i32, %arg1: i32, %arg2: memref<8192x256xf32, #tpu.memory_space<hbm>>, %arg3: memref<32x2x128xi32, #tpu.memory_space<hbm>>, %arg4: memref<8192x256xf32, #tpu.memory_space<hbm>>, %arg5: memref<2x128xi32, #tpu.memory_space<vmem>>, %arg6: memref<2x128x256xf32, #tpu.memory_space<vmem>>, %arg7: memref<!tpu.dma_semaphore, #tpu.memory_space<semaphore_mem>>) attributes {dimension_semantics = [#tpu.dimension_semantics<core_parallel>, #tpu.dimension_semantics<subcore_parallel>], iteration_bounds = array<i64: 2, 16>, scalar_prefetch = 0 : i64, scratch_operands = 3 : i64, tpu.core_type = #tpu.core_type<sc_vector_subcore>, window_params = [{transform_indices = #map}, {transform_indices = #map1}, {transform_indices = #map}]} {
    %mul3A = arith.constant 2 : i32
    %mul3A_0 = arith.muli %arg1, %mul3A : i32
    %add3A = arith.addi %mul3A_0, %arg0 : i32
    %mul3A_1 = arith.constant 256 : i32
    %mul3A_2 = arith.muli %add3A, %mul3A_1 : i32
    "tpu.region"() ({
      %run_scoped3A_54 = tpu.sem_alloc : memref<!tpu.dma_semaphore, #tpu.memory_space<semaphore_mem>>
      %dma_start3A_55 = arith.constant 0 : i32
      %dma_start3A_56 = arith.constant 0 : i32
      %dma_start3A_57 = tpu.memref_slice %arg3[%add3A, %dma_start3A_55, %dma_start3A_56] : memref<32x2x128xi32, #tpu.memory_space<hbm>> -> memref<1x2x128xi32, #tpu.memory_space<hbm>>
      %dma_start3A_58 = tpu.memref_squeeze %dma_start3A_57 : memref<1x2x128xi32, #tpu.memory_space<hbm>> -> memref<2x128xi32, #tpu.memory_space<hbm>>
      %dma_start3A_59 = arith.constant 0 : i32
      %dma_start3A_60 = arith.constant 0 : i32
      %dma_start3A_61 = tpu.memref_slice %arg3[%add3A, %dma_start3A_59, %dma_start3A_60] : memref<32x2x128xi32, #tpu.memory_space<hbm>> -> memref<1x2x128xi32, #tpu.memory_space<hbm>>
      %dma_start3A_62 = tpu.memref_squeeze %dma_start3A_61 : memref<1x2x128xi32, #tpu.memory_space<hbm>> -> memref<2x128xi32, #tpu.memory_space<hbm>>
      tpu.enqueue_dma source(%dma_start3A_62 : memref<2x128xi32, #tpu.memory_space<hbm>>) target(%arg5 : memref<2x128xi32, #tpu.memory_space<vmem>>) target_semaphore(%run_scoped3A_54 : memref<!tpu.dma_semaphore, #tpu.memory_space<semaphore_mem>>)
      %dma_wait3A_63 = arith.constant 0 : i32
      %dma_wait3A_64 = arith.constant 0 : i32
      %dma_wait3A_65 = tpu.memref_slice %arg3[%add3A, %dma_wait3A_63, %dma_wait3A_64] : memref<32x2x128xi32, #tpu.memory_space<hbm>> -> memref<1x2x128xi32, #tpu.memory_space<hbm>>
      %dma_wait3A_66 = tpu.memref_squeeze %dma_wait3A_65 : memref<1x2x128xi32, #tpu.memory_space<hbm>> -> memref<2x128xi32, #tpu.memory_space<hbm>>
      %dma_wait3A_67 = arith.constant 0 : i32
      %dma_wait3A_68 = arith.constant 0 : i32
      %dma_wait3A_69 = tpu.memref_slice %arg3[%add3A, %dma_wait3A_67, %dma_wait3A_68] : memref<32x2x128xi32, #tpu.memory_space<hbm>> -> memref<1x2x128xi32, #tpu.memory_space<hbm>>
      %dma_wait3A_70 = tpu.memref_squeeze %dma_wait3A_69 : memref<1x2x128xi32, #tpu.memory_space<hbm>> -> memref<2x128xi32, #tpu.memory_space<hbm>>
      tpu.wait_dma2 semaphore(%run_scoped3A_54 : memref<!tpu.dma_semaphore, #tpu.memory_space<semaphore_mem>>) src(%dma_wait3A_70 : memref<2x128xi32, #tpu.memory_space<hbm>>) dst(%arg5 : memref<2x128xi32, #tpu.memory_space<vmem>>)
      tpu.yield
    }) : () -> ()
    %dma_start3A = arith.constant 0 : i32
    %dma_start3A_3 = arith.constant 0 : i32
    %dma_start3A_4 = arith.constant 0 : i32
    %dma_start3A_5 = arith.constant 0 : i32
    %dma_start3A_6 = tpu.memref_slice %arg6[%dma_start3A_3, %dma_start3A_4, %dma_start3A_5] : memref<2x128x256xf32, #tpu.memory_space<vmem>> -> memref<1x128x256xf32, #tpu.memory_space<vmem>>
    %dma_start3A_7 = tpu.memref_squeeze %dma_start3A_6 : memref<1x128x256xf32, #tpu.memory_space<vmem>> -> memref<128x256xf32, #tpu.memory_space<vmem>>
    %dma_start3A_8 = arith.constant 0 : i32
    %dma_start3A_9 = tpu.memref_slice %arg5[%dma_start3A, %dma_start3A_8] : memref<2x128xi32, #tpu.memory_space<vmem>> -> memref<1x128xi32, #tpu.memory_space<vmem>>
    %dma_start3A_10 = tpu.memref_squeeze %dma_start3A_9 : memref<1x128xi32, #tpu.memory_space<vmem>> -> memref<128xi32, #tpu.memory_space<vmem>>
    %dma_start3A_11 = arith.constant 0 : i32
    %dma_start3A_12 = arith.constant 0 : i32
    %dma_start3A_13 = tpu.memref_slice %arg2[%dma_start3A_11, %dma_start3A_12] : memref<8192x256xf32, #tpu.memory_space<hbm>> -> memref<8192x256xf32, #tpu.memory_space<hbm>>
    tpu.enqueue_indirect_dma source(%dma_start3A_13 : memref<8192x256xf32, #tpu.memory_space<hbm>>) target(%dma_start3A_7 : memref<128x256xf32, #tpu.memory_space<vmem>>) offsets(%dma_start3A_10 : memref<128xi32, #tpu.memory_space<vmem>>) semaphore(%arg7 : memref<!tpu.dma_semaphore, #tpu.memory_space<semaphore_mem>>)
    %dma_wait3A = arith.constant 0 : i32
    %dma_wait3A_14 = arith.constant 0 : i32
    %dma_wait3A_15 = arith.constant 0 : i32
    %dma_wait3A_16 = arith.constant 0 : i32
    %dma_wait3A_17 = tpu.memref_slice %arg6[%dma_wait3A_14, %dma_wait3A_15, %dma_wait3A_16] : memref<2x128x256xf32, #tpu.memory_space<vmem>> -> memref<1x128x256xf32, #tpu.memory_space<vmem>>
    %dma_wait3A_18 = tpu.memref_squeeze %dma_wait3A_17 : memref<1x128x256xf32, #tpu.memory_space<vmem>> -> memref<128x256xf32, #tpu.memory_space<vmem>>
    %dma_wait3A_19 = arith.constant 0 : i32
    %dma_wait3A_20 = tpu.memref_slice %arg5[%dma_wait3A, %dma_wait3A_19] : memref<2x128xi32, #tpu.memory_space<vmem>> -> memref<1x128xi32, #tpu.memory_space<vmem>>
    %dma_wait3A_21 = tpu.memref_squeeze %dma_wait3A_20 : memref<1x128xi32, #tpu.memory_space<vmem>> -> memref<128xi32, #tpu.memory_space<vmem>>
    %dma_wait3A_22 = arith.constant 0 : i32
    %dma_wait3A_23 = arith.constant 0 : i32
    %dma_wait3A_24 = tpu.memref_slice %arg2[%dma_wait3A_22, %dma_wait3A_23] : memref<8192x256xf32, #tpu.memory_space<hbm>> -> memref<8192x256xf32, #tpu.memory_space<hbm>>
    tpu.wait_indirect_dma semaphore(%arg7 : memref<!tpu.dma_semaphore, #tpu.memory_space<semaphore_mem>>) src(%dma_wait3A_24 : memref<8192x256xf32, #tpu.memory_space<hbm>>) dst(%dma_wait3A_18 : memref<128x256xf32, #tpu.memory_space<vmem>>)
    %add3A_25 = arith.constant 0 : i32
    %add3A_26 = arith.addi %mul3A_2, %add3A_25 : i32
    %run_scoped3A = arith.constant 0 : i32
    "tpu.region"() ({
      %run_scoped3A_54 = tpu.sem_alloc : memref<!tpu.dma_semaphore, #tpu.memory_space<semaphore_mem>>
      %dma_start3A_55 = arith.constant 0 : i32
      %dma_start3A_56 = arith.constant 0 : i32
      %dma_start3A_57 = tpu.memref_slice %arg6[%run_scoped3A, %dma_start3A_55, %dma_start3A_56] : memref<2x128x256xf32, #tpu.memory_space<vmem>> -> memref<1x128x256xf32, #tpu.memory_space<vmem>>
      %dma_start3A_58 = tpu.memref_squeeze %dma_start3A_57 : memref<1x128x256xf32, #tpu.memory_space<vmem>> -> memref<128x256xf32, #tpu.memory_space<vmem>>
      %dma_start3A_59 = arith.constant 0 : i32
      %dma_start3A_60 = tpu.memref_slice %arg4[%add3A_26, %dma_start3A_59] : memref<8192x256xf32, #tpu.memory_space<hbm>> -> memref<128x256xf32, #tpu.memory_space<hbm>>
      %dma_start3A_61 = arith.constant 0 : i32
      %dma_start3A_62 = tpu.memref_slice %arg4[%add3A_26, %dma_start3A_61] : memref<8192x256xf32, #tpu.memory_space<hbm>> -> memref<128x256xf32, #tpu.memory_space<hbm>>
      %dma_start3A_63 = arith.constant 0 : i32
      %dma_start3A_64 = arith.constant 0 : i32
      %dma_start3A_65 = tpu.memref_slice %arg6[%run_scoped3A, %dma_start3A_63, %dma_start3A_64] : memref<2x128x256xf32, #tpu.memory_space<vmem>> -> memref<1x128x256xf32, #tpu.memory_space<vmem>>
      %dma_start3A_66 = tpu.memref_squeeze %dma_start3A_65 : memref<1x128x256xf32, #tpu.memory_space<vmem>> -> memref<128x256xf32, #tpu.memory_space<vmem>>
      tpu.enqueue_dma source(%dma_start3A_66 : memref<128x256xf32, #tpu.memory_space<vmem>>) target(%dma_start3A_62 : memref<128x256xf32, #tpu.memory_space<hbm>>) target_semaphore(%run_scoped3A_54 : memref<!tpu.dma_semaphore, #tpu.memory_space<semaphore_mem>>)
      %dma_wait3A_67 = arith.constant 0 : i32
      %dma_wait3A_68 = arith.constant 0 : i32
      %dma_wait3A_69 = tpu.memref_slice %arg6[%run_scoped3A, %dma_wait3A_67, %dma_wait3A_68] : memref<2x128x256xf32, #tpu.memory_space<vmem>> -> memref<1x128x256xf32, #tpu.memory_space<vmem>>
      %dma_wait3A_70 = tpu.memref_squeeze %dma_wait3A_69 : memref<1x128x256xf32, #tpu.memory_space<vmem>> -> memref<128x256xf32, #tpu.memory_space<vmem>>
      %dma_wait3A_71 = arith.constant 0 : i32
      %dma_wait3A_72 = tpu.memref_slice %arg4[%add3A_26, %dma_wait3A_71] : memref<8192x256xf32, #tpu.memory_space<hbm>> -> memref<128x256xf32, #tpu.memory_space<hbm>>
      %dma_wait3A_73 = arith.constant 0 : i32
      %dma_wait3A_74 = tpu.memref_slice %arg4[%add3A_26, %dma_wait3A_73] : memref<8192x256xf32, #tpu.memory_space<hbm>> -> memref<128x256xf32, #tpu.memory_space<hbm>>
      %dma_wait3A_75 = arith.constant 0 : i32
      %dma_wait3A_76 = arith.constant 0 : i32
      %dma_wait3A_77 = tpu.memref_slice %arg6[%run_scoped3A, %dma_wait3A_75, %dma_wait3A_76] : memref<2x128x256xf32, #tpu.memory_space<vmem>> -> memref<1x128x256xf32, #tpu.memory_space<vmem>>
      %dma_wait3A_78 = tpu.memref_squeeze %dma_wait3A_77 : memref<1x128x256xf32, #tpu.memory_space<vmem>> -> memref<128x256xf32, #tpu.memory_space<vmem>>
      tpu.wait_dma2 semaphore(%run_scoped3A_54 : memref<!tpu.dma_semaphore, #tpu.memory_space<semaphore_mem>>) src(%dma_wait3A_78 : memref<128x256xf32, #tpu.memory_space<vmem>>) dst(%dma_wait3A_74 : memref<128x256xf32, #tpu.memory_space<hbm>>)
      tpu.yield
    }) : () -> ()
    %dma_start3A_27 = arith.constant 1 : i32
    %dma_start3A_28 = arith.constant 1 : i32
    %dma_start3A_29 = arith.constant 0 : i32
    %dma_start3A_30 = arith.constant 0 : i32
    %dma_start3A_31 = tpu.memref_slice %arg6[%dma_start3A_28, %dma_start3A_29, %dma_start3A_30] : memref<2x128x256xf32, #tpu.memory_space<vmem>> -> memref<1x128x256xf32, #tpu.memory_space<vmem>>
    %dma_start3A_32 = tpu.memref_squeeze %dma_start3A_31 : memref<1x128x256xf32, #tpu.memory_space<vmem>> -> memref<128x256xf32, #tpu.memory_space<vmem>>
    %dma_start3A_33 = arith.constant 0 : i32
    %dma_start3A_34 = tpu.memref_slice %arg5[%dma_start3A_27, %dma_start3A_33] : memref<2x128xi32, #tpu.memory_space<vmem>> -> memref<1x128xi32, #tpu.memory_space<vmem>>
    %dma_start3A_35 = tpu.memref_squeeze %dma_start3A_34 : memref<1x128xi32, #tpu.memory_space<vmem>> -> memref<128xi32, #tpu.memory_space<vmem>>
    %dma_start3A_36 = arith.constant 0 : i32
    %dma_start3A_37 = arith.constant 0 : i32
    %dma_start3A_38 = tpu.memref_slice %arg2[%dma_start3A_36, %dma_start3A_37] : memref<8192x256xf32, #tpu.memory_space<hbm>> -> memref<8192x256xf32, #tpu.memory_space<hbm>>
    tpu.enqueue_indirect_dma source(%dma_start3A_38 : memref<8192x256xf32, #tpu.memory_space<hbm>>) target(%dma_start3A_32 : memref<128x256xf32, #tpu.memory_space<vmem>>) offsets(%dma_start3A_35 : memref<128xi32, #tpu.memory_space<vmem>>) semaphore(%arg7 : memref<!tpu.dma_semaphore, #tpu.memory_space<semaphore_mem>>)
    %dma_wait3A_39 = arith.constant 1 : i32
    %dma_wait3A_40 = arith.constant 1 : i32
    %dma_wait3A_41 = arith.constant 0 : i32
    %dma_wait3A_42 = arith.constant 0 : i32
    %dma_wait3A_43 = tpu.memref_slice %arg6[%dma_wait3A_40, %dma_wait3A_41, %dma_wait3A_42] : memref<2x128x256xf32, #tpu.memory_space<vmem>> -> memref<1x128x256xf32, #tpu.memory_space<vmem>>
    %dma_wait3A_44 = tpu.memref_squeeze %dma_wait3A_43 : memref<1x128x256xf32, #tpu.memory_space<vmem>> -> memref<128x256xf32, #tpu.memory_space<vmem>>
    %dma_wait3A_45 = arith.constant 0 : i32
    %dma_wait3A_46 = tpu.memref_slice %arg5[%dma_wait3A_39, %dma_wait3A_45] : memref<2x128xi32, #tpu.memory_space<vmem>> -> memref<1x128xi32, #tpu.memory_space<vmem>>
    %dma_wait3A_47 = tpu.memref_squeeze %dma_wait3A_46 : memref<1x128xi32, #tpu.memory_space<vmem>> -> memref<128xi32, #tpu.memory_space<vmem>>
    %dma_wait3A_48 = arith.constant 0 : i32
    %dma_wait3A_49 = arith.constant 0 : i32
    %dma_wait3A_50 = tpu.memref_slice %arg2[%dma_wait3A_48, %dma_wait3A_49] : memref<8192x256xf32, #tpu.memory_space<hbm>> -> memref<8192x256xf32, #tpu.memory_space<hbm>>
    tpu.wait_indirect_dma semaphore(%arg7 : memref<!tpu.dma_semaphore, #tpu.memory_space<semaphore_mem>>) src(%dma_wait3A_50 : memref<8192x256xf32, #tpu.memory_space<hbm>>) dst(%dma_wait3A_44 : memref<128x256xf32, #tpu.memory_space<vmem>>)
    %add3A_51 = arith.constant 128 : i32
    %add3A_52 = arith.addi %mul3A_2, %add3A_51 : i32
    %run_scoped3A_53 = arith.constant 1 : i32
    "tpu.region"() ({
      %run_scoped3A_54 = tpu.sem_alloc : memref<!tpu.dma_semaphore, #tpu.memory_space<semaphore_mem>>
      %dma_start3A_55 = arith.constant 0 : i32
      %dma_start3A_56 = arith.constant 0 : i32
      %dma_start3A_57 = tpu.memref_slice %arg6[%run_scoped3A_53, %dma_start3A_55, %dma_start3A_56] : memref<2x128x256xf32, #tpu.memory_space<vmem>> -> memref<1x128x256xf32, #tpu.memory_space<vmem>>
      %dma_start3A_58 = tpu.memref_squeeze %dma_start3A_57 : memref<1x128x256xf32, #tpu.memory_space<vmem>> -> memref<128x256xf32, #tpu.memory_space<vmem>>
      %dma_start3A_59 = arith.constant 0 : i32
      %dma_start3A_60 = tpu.memref_slice %arg4[%add3A_52, %dma_start3A_59] : memref<8192x256xf32, #tpu.memory_space<hbm>> -> memref<128x256xf32, #tpu.memory_space<hbm>>
      %dma_start3A_61 = arith.constant 0 : i32
      %dma_start3A_62 = tpu.memref_slice %arg4[%add3A_52, %dma_start3A_61] : memref<8192x256xf32, #tpu.memory_space<hbm>> -> memref<128x256xf32, #tpu.memory_space<hbm>>
      %dma_start3A_63 = arith.constant 0 : i32
      %dma_start3A_64 = arith.constant 0 : i32
      %dma_start3A_65 = tpu.memref_slice %arg6[%run_scoped3A_53, %dma_start3A_63, %dma_start3A_64] : memref<2x128x256xf32, #tpu.memory_space<vmem>> -> memref<1x128x256xf32, #tpu.memory_space<vmem>>
      %dma_start3A_66 = tpu.memref_squeeze %dma_start3A_65 : memref<1x128x256xf32, #tpu.memory_space<vmem>> -> memref<128x256xf32, #tpu.memory_space<vmem>>
      tpu.enqueue_dma source(%dma_start3A_66 : memref<128x256xf32, #tpu.memory_space<vmem>>) target(%dma_start3A_62 : memref<128x256xf32, #tpu.memory_space<hbm>>) target_semaphore(%run_scoped3A_54 : memref<!tpu.dma_semaphore, #tpu.memory_space<semaphore_mem>>)
      %dma_wait3A_67 = arith.constant 0 : i32
      %dma_wait3A_68 = arith.constant 0 : i32
      %dma_wait3A_69 = tpu.memref_slice %arg6[%run_scoped3A_53, %dma_wait3A_67, %dma_wait3A_68] : memref<2x128x256xf32, #tpu.memory_space<vmem>> -> memref<1x128x256xf32, #tpu.memory_space<vmem>>
      %dma_wait3A_70 = tpu.memref_squeeze %dma_wait3A_69 : memref<1x128x256xf32, #tpu.memory_space<vmem>> -> memref<128x256xf32, #tpu.memory_space<vmem>>
      %dma_wait3A_71 = arith.constant 0 : i32
      %dma_wait3A_72 = tpu.memref_slice %arg4[%add3A_52, %dma_wait3A_71] : memref<8192x256xf32, #tpu.memory_space<hbm>> -> memref<128x256xf32, #tpu.memory_space<hbm>>
      %dma_wait3A_73 = arith.constant 0 : i32
      %dma_wait3A_74 = tpu.memref_slice %arg4[%add3A_52, %dma_wait3A_73] : memref<8192x256xf32, #tpu.memory_space<hbm>> -> memref<128x256xf32, #tpu.memory_space<hbm>>
      %dma_wait3A_75 = arith.constant 0 : i32
      %dma_wait3A_76 = arith.constant 0 : i32
      %dma_wait3A_77 = tpu.memref_slice %arg6[%run_scoped3A_53, %dma_wait3A_75, %dma_wait3A_76] : memref<2x128x256xf32, #tpu.memory_space<vmem>> -> memref<1x128x256xf32, #tpu.memory_space<vmem>>
      %dma_wait3A_78 = tpu.memref_squeeze %dma_wait3A_77 : memref<1x128x256xf32, #tpu.memory_space<vmem>> -> memref<128x256xf32, #tpu.memory_space<vmem>>
      tpu.wait_dma2 semaphore(%run_scoped3A_54 : memref<!tpu.dma_semaphore, #tpu.memory_space<semaphore_mem>>) src(%dma_wait3A_78 : memref<128x256xf32, #tpu.memory_space<vmem>>) dst(%dma_wait3A_74 : memref<128x256xf32, #tpu.memory_space<hbm>>)
      tpu.yield
    }) : () -> ()
    return
  }
}

module attributes {stable_mosaic.version = 14 : i64} {
  func.func @_argmin_body(%arg0: i32, %arg1: i32, %arg2: memref<512x256xf32, #tpu.memory_space<vmem>>, %arg3: memref<1x1x512xf32, #tpu.memory_space<vmem>>, %arg4: memref<8192x256xf32, #tpu.memory_space<vmem>>, %arg5: memref<1x1x512xi32, #tpu.memory_space<vmem>>, %arg6: memref<512xf32, #tpu.memory_space<vmem>>, %arg7: memref<512xi32, #tpu.memory_space<vmem>>) attributes {dimension_semantics = [#tpu.dimension_semantics<arbitrary>, #tpu.dimension_semantics<arbitrary>], iteration_bounds = array<i64: 16, 4>, scalar_prefetch = 0 : i64, scratch_operands = 2 : i64, tpu.core_type = #tpu.core_type<tc>, window_params = [{transform_indices = @transform_0, window_bounds = array<i64: 512, 256>}, {transform_indices = @transform_1, window_bounds = array<i64: 1, 1, 512>}, {pipeline_mode = #tpu.pipeline_mode<synchronous>, transform_indices = @transform_2, window_bounds = array<i64: 8192, 256>}, {transform_indices = @transform_3, window_bounds = array<i64: 1, 1, 512>}]} {
    %get3A = arith.constant 0 : index
    %get3A_0 = arith.constant 0 : index
    %get3A_1 = vector.load %arg2[%get3A, %get3A_0] : memref<512x256xf32, #tpu.memory_space<vmem>>, vector<512x256xf32>
    %get3A_2 = arith.constant 0 : index
    %get3A_3 = arith.constant 0 : index
    %get3A_4 = arith.constant 0 : index
    %get3A_5 = vector.load %arg3[%get3A_2, %get3A_3, %get3A_4] : memref<1x1x512xf32, #tpu.memory_space<vmem>>, vector<1x1x512xf32>
    %get3A_6 = vector.shape_cast %get3A_5 : vector<1x1x512xf32> to vector<512xf32>
    %eq3A = arith.constant 0 : i32
    %eq3A_7 = arith.cmpi eq, %arg1, %eq3A : i32
    %convert_element_type3A = arith.extui %eq3A_7 : i1 to i32
    %cond3A = arith.constant 0 : i32
    %cond3A_8 = arith.cmpi ne, %convert_element_type3A, %cond3A : i32
    scf.if %cond3A_8 {
      %broadcast_in_dim3A_70 = arith.constant 0x7F800000 : f32
      %broadcast_in_dim3A_71 = vector.broadcast %broadcast_in_dim3A_70 : f32 to vector<512xf32>
      %swap3A_72 = arith.constant 0 : index
      %swap3A_73 = vector.load %arg6[%swap3A_72] : memref<512xf32, #tpu.memory_space<vmem>>, vector<512xf32>
      tpu.vector_store %arg6[%swap3A_72], %broadcast_in_dim3A_71 {strides = array<i32>} : memref<512xf32, #tpu.memory_space<vmem>>, vector<512xf32>,
      %broadcast_in_dim3A_74 = arith.constant 0 : i32
      %broadcast_in_dim3A_75 = vector.broadcast %broadcast_in_dim3A_74 : i32 to vector<512xi32>
      %swap3A_76 = arith.constant 0 : index
      %swap3A_77 = vector.load %arg7[%swap3A_76] : memref<512xi32, #tpu.memory_space<vmem>>, vector<512xi32>
      tpu.vector_store %arg7[%swap3A_76], %broadcast_in_dim3A_75 {strides = array<i32>} : memref<512xi32, #tpu.memory_space<vmem>>, vector<512xi32>,
    } else {
    }
    %mul3A = arith.constant 2048 : i32
    %mul3A_9 = arith.muli %arg1, %mul3A : i32
    %get3A_10 = arith.index_cast %mul3A_9 : i32 to index
    %get3A_11 = arith.constant 0 : index
    %get3A_12 = vector.load %arg4[%get3A_10, %get3A_11] : memref<8192x256xf32, #tpu.memory_space<vmem>>, vector<2048x256xf32>
    %convert_element_type3A_13 = arith.truncf %get3A_1 : vector<512x256xf32> to vector<512x256xbf16>
    %convert_element_type3A_14 = arith.truncf %get3A_12 : vector<2048x256xf32> to vector<2048x256xbf16>
    %dot_general3A = arith.constant dense<0.000000e+00> : vector<512x2048xf32>
    %dot_general3A_15 = tpu.matmul %convert_element_type3A_13, %convert_element_type3A_14, %dot_general3A {dimension_numbers = #tpu.dot_dimension_numbers<[1], [1], [0], [0], [0, 0, 1, 0], [], []>, transpose_lhs_hint = false} : vector<512x256xbf16>, vector<2048x256xbf16>, vector<512x2048xf32> -> vector<512x2048xf32>
    %mul3A_16 = arith.mulf %get3A_12, %get3A_12 : vector<2048x256xf32>
    %reduce_sum3A = arith.constant dense<0.000000e+00> : vector<2048xf32>
    %reduce_sum3A_17 = vector.multi_reduction <add>, %mul3A_16, %reduce_sum3A [1] : vector<2048x256xf32> to vector<2048xf32>
    %broadcast_in_dim3A = vector.shape_cast %get3A_6 : vector<512xf32> to vector<512x1xf32>
    %broadcast_in_dim3A_18 = vector.shape_cast %reduce_sum3A_17 : vector<2048xf32> to vector<1x2048xf32>
    %add3A = vector.broadcast %broadcast_in_dim3A : vector<512x1xf32> to vector<512x2048xf32>
    %add3A_19 = vector.broadcast %broadcast_in_dim3A_18 : vector<1x2048xf32> to vector<512x2048xf32>
    %add3A_20 = arith.addf %add3A, %add3A_19 : vector<512x2048xf32>
    %mul3A_21 = arith.constant 2.000000e+00 : f32
    %mul3A_22 = vector.broadcast %mul3A_21 : f32 to vector<512x2048xf32>
    %mul3A_23 = arith.mulf %mul3A_22, %dot_general3A_15 : vector<512x2048xf32>
    %sub3A = arith.subf %add3A_20, %mul3A_23 : vector<512x2048xf32>
    %mul3A_24 = arith.constant 2048 : i32
    %mul3A_25 = arith.muli %arg1, %mul3A_24 : i32
    %iota3A = tpu.iota {dimensions = array<i32: 1>} : vector<512x2048xi32>
    %add3A_26 = vector.broadcast %mul3A_25 : i32 to vector<512x2048xi32>
    %add3A_27 = arith.addi %add3A_26, %iota3A : vector<512x2048xi32>
    %reduce_min3A = arith.constant dense<0x7F800000> : vector<512xf32>
    %reduce_min3A_28 = vector.multi_reduction <minimumf>, %sub3A, %reduce_min3A [1] : vector<512x2048xf32> to vector<512xf32>
    %broadcast_in_dim3A_29 = vector.shape_cast %reduce_min3A_28 : vector<512xf32> to vector<512x1xf32>
    %eq3A_30 = vector.broadcast %broadcast_in_dim3A_29 : vector<512x1xf32> to vector<512x2048xf32>
    %eq3A_31 = arith.cmpf oeq, %sub3A, %eq3A_30 : vector<512x2048xf32>
    %jit3A = arith.constant 2147483647 : i32
    %broadcast_in_dim3A_32 = vector.broadcast %jit3A : i32 to vector<512x2048xi32>
    %select_n3A = arith.select %eq3A_31, %add3A_27, %broadcast_in_dim3A_32 : vector<512x2048xi1>, vector<512x2048xi32>
    %reduce_min3A_33 = arith.constant dense<2147483647> : vector<512xi32>
    %reduce_min3A_34 = vector.multi_reduction <minsi>, %select_n3A, %reduce_min3A_33 [1] : vector<512x2048xi32> to vector<512xi32>
    %get3A_35 = arith.constant 0 : index
    %get3A_36 = vector.load %arg6[%get3A_35] : memref<512xf32, #tpu.memory_space<vmem>>, vector<512xf32>
    %lt3A = arith.cmpf olt, %reduce_min3A_28, %get3A_36 : vector<512xf32>
    %get3A_37 = arith.constant 0 : index
    %get3A_38 = vector.load %arg6[%get3A_37] : memref<512xf32, #tpu.memory_space<vmem>>, vector<512xf32>
    %eq3A_39 = arith.cmpf oeq, %reduce_min3A_28, %get3A_38 : vector<512xf32>
    %get3A_40 = arith.constant 0 : index
    %get3A_41 = vector.load %arg7[%get3A_40] : memref<512xi32, #tpu.memory_space<vmem>>, vector<512xi32>
    %lt3A_42 = arith.cmpi slt, %reduce_min3A_34, %get3A_41 : vector<512xi32>
    %and3A = arith.andi %eq3A_39, %lt3A_42 : vector<512xi1>
    %or3A = arith.ori %lt3A, %and3A : vector<512xi1>
    %get3A_43 = arith.constant 0 : index
    %get3A_44 = vector.load %arg7[%get3A_43] : memref<512xi32, #tpu.memory_space<vmem>>, vector<512xi32>
    %select_n3A_45 = arith.select %or3A, %reduce_min3A_34, %get3A_44 : vector<512xi1>, vector<512xi32>
    %swap3A = arith.constant 0 : index
    %swap3A_46 = vector.load %arg7[%swap3A] : memref<512xi32, #tpu.memory_space<vmem>>, vector<512xi32>
    tpu.vector_store %arg7[%swap3A], %select_n3A_45 {strides = array<i32>} : memref<512xi32, #tpu.memory_space<vmem>>, vector<512xi32>,
    %bitcast_convert_type3A = tpu.bitcast %reduce_min3A_28 : vector<512xf32> -> vector<512xi32>
    %shift_right_logical3A = arith.constant 16 : i32
    %shift_right_logical3A_47 = vector.broadcast %shift_right_logical3A : i32 to vector<512xi32>
    %shift_right_logical3A_48 = arith.shrui %bitcast_convert_type3A, %shift_right_logical3A_47 : vector<512xi32>
    %and3A_49 = arith.constant 1 : i32
    %and3A_50 = vector.broadcast %and3A_49 : i32 to vector<512xi32>
    %and3A_51 = arith.andi %shift_right_logical3A_48, %and3A_50 : vector<512xi32>
    %add3A_52 = arith.constant 32767 : i32
    %add3A_53 = vector.broadcast %add3A_52 : i32 to vector<512xi32>
    %add3A_54 = arith.addi %and3A_51, %add3A_53 : vector<512xi32>
    %add3A_55 = arith.addi %bitcast_convert_type3A, %add3A_54 : vector<512xi32>
    %and3A_56 = arith.constant -65536 : i32
    %and3A_57 = vector.broadcast %and3A_56 : i32 to vector<512xi32>
    %and3A_58 = arith.andi %add3A_55, %and3A_57 : vector<512xi32>
    %bitcast_convert_type3A_59 = tpu.bitcast %and3A_58 : vector<512xi32> -> vector<512xf32>
    %get3A_60 = arith.constant 0 : index
    %get3A_61 = vector.load %arg6[%get3A_60] : memref<512xf32, #tpu.memory_space<vmem>>, vector<512xf32>
    %select_n3A_62 = arith.select %lt3A, %bitcast_convert_type3A_59, %get3A_61 : vector<512xi1>, vector<512xf32>
    %swap3A_63 = arith.constant 0 : index
    %swap3A_64 = vector.load %arg6[%swap3A_63] : memref<512xf32, #tpu.memory_space<vmem>>, vector<512xf32>
    tpu.vector_store %arg6[%swap3A_63], %select_n3A_62 {strides = array<i32>} : memref<512xf32, #tpu.memory_space<vmem>>, vector<512xf32>,
    %eq3A_65 = arith.constant 3 : i32
    %eq3A_66 = arith.cmpi eq, %arg1, %eq3A_65 : i32
    %convert_element_type3A_67 = arith.extui %eq3A_66 : i1 to i32
    %cond3A_68 = arith.constant 0 : i32
    %cond3A_69 = arith.cmpi ne, %convert_element_type3A_67, %cond3A_68 : i32
    scf.if %cond3A_69 {
      %get3A_70 = arith.constant 0 : index
      %get3A_71 = vector.load %arg7[%get3A_70] : memref<512xi32, #tpu.memory_space<vmem>>, vector<512xi32>
      %swap3A_72 = arith.constant 0 : index
      %swap3A_73 = arith.constant 0 : index
      %swap3A_74 = arith.constant 0 : index
      %swap3A_75 = vector.load %arg5[%swap3A_72, %swap3A_73, %swap3A_74] : memref<1x1x512xi32, #tpu.memory_space<vmem>>, vector<1x1x512xi32>
      %swap3A_76 = vector.shape_cast %swap3A_75 : vector<1x1x512xi32> to vector<512xi32>
      %swap3A_77 = vector.shape_cast %get3A_71 : vector<512xi32> to vector<1x1x512xi32>
      tpu.vector_store %arg5[%swap3A_72, %swap3A_73, %swap3A_74], %swap3A_77 {strides = array<i32>} : memref<1x1x512xi32, #tpu.memory_space<vmem>>, vector<1x1x512xi32>,
    } else {
    }
    return
  }
  func.func @transform_0(%arg0: i32, %arg1: i32) -> (i32, i32) {
    %c0_i32 = arith.constant 0 : i32
    %c0_i32_0 = arith.constant 0 : i32
    return %arg0, %c0_i32 : i32, i32
  }
  func.func @transform_1(%arg0: i32, %arg1: i32) -> (i32, i32, i32) {
    %c0_i32 = arith.constant 0 : i32
    %c0_i32_0 = arith.constant 0 : i32
    %c0_i32_1 = arith.constant 0 : i32
    return %arg0, %c0_i32, %c0_i32_0 : i32, i32, i32
  }
  func.func @transform_2(%arg0: i32, %arg1: i32) -> (i32, i32) {
    %c0_i32 = arith.constant 0 : i32
    %c0_i32_0 = arith.constant 0 : i32
    %c0_i32_1 = arith.constant 0 : i32
    return %c0_i32, %c0_i32_0 : i32, i32
  }
  func.func @transform_3(%arg0: i32, %arg1: i32) -> (i32, i32, i32) {
    %c0_i32 = arith.constant 0 : i32
    %c0_i32_0 = arith.constant 0 : i32
    %c0_i32_1 = arith.constant 0 : i32
    return %arg0, %c0_i32, %c0_i32_0 : i32, i32, i32
  }
}

module attributes {stable_mosaic.version = 14 : i64} {
  func.func @_emit_body(%arg0: i32, %arg1: i32, %arg2: memref<1x1x512xi32, #tpu.memory_space<vmem>>, %arg3: memref<512x256xf32, #tpu.memory_space<vmem>>, %arg4: memref<512x256xf32, #tpu.memory_space<vmem>>, %arg5: memref<512x512xf32, #tpu.memory_space<vmem>>, %arg6: memref<512x256xf32, #tpu.memory_space<vmem>>, %arg7: memref<8x128xf32, #tpu.memory_space<vmem>>, %arg8: memref<8x128xf32, #tpu.memory_space<vmem>>, %arg9: memref<16x512xf32, #tpu.memory_space<vmem>>, %arg10: memref<1xf32, #tpu.memory_space<smem>>) attributes {dimension_semantics = [#tpu.dimension_semantics<arbitrary>, #tpu.dimension_semantics<arbitrary>], iteration_bounds = array<i64: 16, 16>, scalar_prefetch = 0 : i64, scratch_operands = 2 : i64, tpu.core_type = #tpu.core_type<tc>, window_params = [{transform_indices = @transform_0, window_bounds = array<i64: 1, 1, 512>}, {transform_indices = @transform_1, window_bounds = array<i64: 512, 256>}, {transform_indices = @transform_2, window_bounds = array<i64: 512, 256>}, {transform_indices = @transform_3, window_bounds = array<i64: 512, 512>}, {transform_indices = @transform_4, window_bounds = array<i64: 512, 256>}, {pipeline_mode = #tpu.pipeline_mode<synchronous>, transform_indices = @transform_5, window_bounds = array<i64: 8, 128>}, {pipeline_mode = #tpu.pipeline_mode<synchronous>, transform_indices = @transform_6, window_bounds = array<i64: 8, 128>}]} {
    %get3A = arith.constant 0 : index
    %get3A_0 = arith.constant 0 : index
    %get3A_1 = arith.constant 0 : index
    %get3A_2 = vector.load %arg2[%get3A, %get3A_0, %get3A_1] : memref<1x1x512xi32, #tpu.memory_space<vmem>>, vector<1x1x512xi32>
    %get3A_3 = vector.shape_cast %get3A_2 : vector<1x1x512xi32> to vector<512xi32>
    %mul3A = arith.constant 512 : i32
    %mul3A_4 = arith.muli %arg1, %mul3A : i32
    %iota3A = tpu.iota {dimensions = array<i32: 1>} : vector<512x512xi32>
    %add3A = vector.broadcast %mul3A_4 : i32 to vector<512x512xi32>
    %add3A_5 = arith.addi %add3A, %iota3A : vector<512x512xi32>
    %broadcast_in_dim3A = vector.shape_cast %get3A_3 : vector<512xi32> to vector<512x1xi32>
    %eq3A = vector.broadcast %broadcast_in_dim3A : vector<512x1xi32> to vector<512x512xi32>
    %eq3A_6 = arith.cmpi eq, %add3A_5, %eq3A : vector<512x512xi32>
    %jit3A = arith.constant 1.000000e+00 : f32
    %jit3A_7 = arith.constant 0.000000e+00 : f32
    %broadcast_in_dim3A_8 = vector.broadcast %jit3A : f32 to vector<512x512xf32>
    %broadcast_in_dim3A_9 = vector.broadcast %jit3A_7 : f32 to vector<512x512xf32>
    %select_n3A = arith.select %eq3A_6, %broadcast_in_dim3A_8, %broadcast_in_dim3A_9 : vector<512x512xi1>, vector<512x512xf32>
    %swap3A = arith.constant 0 : index
    %swap3A_10 = arith.constant 0 : index
    %swap3A_11 = vector.load %arg5[%swap3A, %swap3A_10] : memref<512x512xf32, #tpu.memory_space<vmem>>, vector<512x512xf32>
    tpu.vector_store %arg5[%swap3A, %swap3A_10], %select_n3A {strides = array<i32>} : memref<512x512xf32, #tpu.memory_space<vmem>>, vector<512x512xf32>,
    %reduce_sum3A = arith.constant dense<0.000000e+00> : vector<512xf32>
    %reduce_sum3A_12 = vector.multi_reduction <add>, %select_n3A, %reduce_sum3A [0] : vector<512x512xf32> to vector<512xf32>
    %reshape3A = vector.shape_cast %reduce_sum3A_12 : vector<512xf32> to vector<1x512xf32>
    %eq3A_13 = arith.constant 0 : i32
    %eq3A_14 = arith.cmpi eq, %arg0, %eq3A_13 : i32
    %convert_element_type3A = arith.extui %eq3A_14 : i1 to i32
    %cond3A = arith.constant 0 : i32
    %cond3A_15 = arith.cmpi ne, %convert_element_type3A, %cond3A : i32
    scf.if %cond3A_15 {
      %swap3A_32 = arith.index_cast %arg1 : i32 to index
      %swap3A_33 = arith.constant 0 : index
      %swap3A_34 = vector.load %arg9[%swap3A_32, %swap3A_33] : memref<16x512xf32, #tpu.memory_space<vmem>>, vector<1x512xf32>
      tpu.vector_store %arg9[%swap3A_32, %swap3A_33], %reshape3A {strides = array<i32>} : memref<16x512xf32, #tpu.memory_space<vmem>>, vector<1x512xf32>,
    } else {
    }
    %gt3A = arith.constant 0 : i32
    %gt3A_16 = arith.cmpi sgt, %arg0, %gt3A : i32
    %convert_element_type3A_17 = arith.extui %gt3A_16 : i1 to i32
    %cond3A_18 = arith.constant 0 : i32
    %cond3A_19 = arith.cmpi ne, %convert_element_type3A_17, %cond3A_18 : i32
    scf.if %cond3A_19 {
      %get3A_32 = arith.index_cast %arg1 : i32 to index
      %get3A_33 = arith.constant 0 : index
      %get3A_34 = vector.load %arg9[%get3A_32, %get3A_33] : memref<16x512xf32, #tpu.memory_space<vmem>>, vector<1x512xf32>
      %add3A_35 = arith.addf %get3A_34, %reshape3A : vector<1x512xf32>
      %swap3A_36 = arith.index_cast %arg1 : i32 to index
      %swap3A_37 = arith.constant 0 : index
      %swap3A_38 = vector.load %arg9[%swap3A_36, %swap3A_37] : memref<16x512xf32, #tpu.memory_space<vmem>>, vector<1x512xf32>
      tpu.vector_store %arg9[%swap3A_36, %swap3A_37], %add3A_35 {strides = array<i32>} : memref<16x512xf32, #tpu.memory_space<vmem>>, vector<1x512xf32>,
    } else {
    }
    %eq3A_20 = arith.constant 0 : i32
    %eq3A_21 = arith.cmpi eq, %arg1, %eq3A_20 : i32
    %convert_element_type3A_22 = arith.extui %eq3A_21 : i1 to i32
    %cond3A_23 = arith.constant 0 : i32
    %cond3A_24 = arith.cmpi ne, %convert_element_type3A_22, %cond3A_23 : i32
    scf.if %cond3A_24 {
      %get3A_32 = arith.constant 0 : index
      %get3A_33 = arith.constant 0 : index
      %get3A_34 = vector.load %arg3[%get3A_32, %get3A_33] : memref<512x256xf32, #tpu.memory_space<vmem>>, vector<512x256xf32>
      %get3A_35 = arith.constant 0 : index
      %get3A_36 = arith.constant 0 : index
      %get3A_37 = vector.load %arg4[%get3A_35, %get3A_36] : memref<512x256xf32, #tpu.memory_space<vmem>>, vector<512x256xf32>
      %sub3A = arith.subf %get3A_37, %get3A_34 : vector<512x256xf32>
      %add3A_38 = arith.addf %get3A_34, %sub3A : vector<512x256xf32>
      %swap3A_39 = arith.constant 0 : index
      %swap3A_40 = arith.constant 0 : index
      %swap3A_41 = vector.load %arg6[%swap3A_39, %swap3A_40] : memref<512x256xf32, #tpu.memory_space<vmem>>, vector<512x256xf32>
      tpu.vector_store %arg6[%swap3A_39, %swap3A_40], %add3A_38 {strides = array<i32>} : memref<512x256xf32, #tpu.memory_space<vmem>>, vector<512x256xf32>,
      %sub3A_42 = arith.subf %get3A_37, %get3A_34 : vector<512x256xf32>
      %integer_pow3A = arith.mulf %sub3A_42, %sub3A_42 : vector<512x256xf32>
      %reduce_sum3A_43 = vector.shape_cast %integer_pow3A : vector<512x256xf32> to vector<1x512x256xf32>
      %reduce_sum3A_44 = arith.constant dense<0.000000e+00> : vector<1xf32>
      %reduce_sum3A_45 = vector.multi_reduction <add>, %reduce_sum3A_43, %reduce_sum3A_44 [1, 2] : vector<1x512x256xf32> to vector<1xf32>
      %reduce_sum3A_46 = vector.shape_cast %reduce_sum3A_45 : vector<1xf32> to vector<1x1x1xf32>
      %reduce_sum3A_47 = vector.extract %reduce_sum3A_46[0, 0, 0] : f32 from vector<1x1x1xf32>
      %eq3A_48 = arith.constant 0 : i32
      %eq3A_49 = arith.cmpi eq, %arg0, %eq3A_48 : i32
      %convert_element_type3A_50 = arith.extui %eq3A_49 : i1 to i32
      %cond3A_51 = arith.constant 0 : i32
      %cond3A_52 = arith.cmpi ne, %convert_element_type3A_50, %cond3A_51 : i32
      scf.if %cond3A_52 {
        %swap3A_58 = arith.constant 0 : index
        %swap3A_59 = memref.load %arg10[%swap3A_58] : memref<1xf32, #tpu.memory_space<smem>>
        memref.store %reduce_sum3A_47, %arg10[%swap3A_58] : memref<1xf32, #tpu.memory_space<smem>>
      } else {
      }
      %gt3A_53 = arith.constant 0 : i32
      %gt3A_54 = arith.cmpi sgt, %arg0, %gt3A_53 : i32
      %convert_element_type3A_55 = arith.extui %gt3A_54 : i1 to i32
      %cond3A_56 = arith.constant 0 : i32
      %cond3A_57 = arith.cmpi ne, %convert_element_type3A_55, %cond3A_56 : i32
      scf.if %cond3A_57 {
        %get3A_58 = arith.constant 0 : index
        %get3A_59 = memref.load %arg10[%get3A_58] : memref<1xf32, #tpu.memory_space<smem>>
        %add3A_60 = arith.addf %get3A_59, %reduce_sum3A_47 : f32
        %swap3A_61 = arith.constant 0 : index
        %swap3A_62 = memref.load %arg10[%swap3A_61] : memref<1xf32, #tpu.memory_space<smem>>
        memref.store %add3A_60, %arg10[%swap3A_61] : memref<1xf32, #tpu.memory_space<smem>>
      } else {
      }
    } else {
    }
    %eq3A_25 = arith.constant 15 : i32
    %eq3A_26 = arith.cmpi eq, %arg0, %eq3A_25 : i32
    %eq3A_27 = arith.constant 15 : i32
    %eq3A_28 = arith.cmpi eq, %arg1, %eq3A_27 : i32
    %and3A = arith.andi %eq3A_26, %eq3A_28 : i1
    %convert_element_type3A_29 = arith.extui %and3A : i1 to i32
    %cond3A_30 = arith.constant 0 : i32
    %cond3A_31 = arith.cmpi ne, %convert_element_type3A_29, %cond3A_30 : i32
    scf.if %cond3A_31 {
      %get3A_32 = arith.constant 0 : index
      %get3A_33 = memref.load %arg10[%get3A_32] : memref<1xf32, #tpu.memory_space<smem>>
      %div3A = arith.constant 0x4A000000 : f32
      %div3A_34 = arith.divf %get3A_33, %div3A : f32
      %mul3A_35 = arith.constant 2.500000e-01 : f32
      %mul3A_36 = arith.mulf %mul3A_35, %div3A_34 : f32
      %add3A_37 = arith.addf %div3A_34, %mul3A_36 : f32
      %broadcast_in_dim3A_38 = vector.broadcast %add3A_37 : f32 to vector<8x128xf32>
      %swap3A_39 = arith.constant 0 : index
      %swap3A_40 = arith.constant 0 : index
      %swap3A_41 = vector.load %arg7[%swap3A_39, %swap3A_40] : memref<8x128xf32, #tpu.memory_space<vmem>>, vector<8x128xf32>
      tpu.vector_store %arg7[%swap3A_39, %swap3A_40], %broadcast_in_dim3A_38 {strides = array<i32>} : memref<8x128xf32, #tpu.memory_space<vmem>>, vector<8x128xf32>,
      %get3A_42 = arith.constant 0 : index
      %get3A_43 = arith.constant 0 : index
      %get3A_44 = vector.load %arg9[%get3A_42, %get3A_43] : memref<16x512xf32, #tpu.memory_space<vmem>>, vector<16x512xf32>
      %mul3A_45 = arith.constant 1.22070313E-4 : f32
      %mul3A_46 = vector.broadcast %mul3A_45 : f32 to vector<16x512xf32>
      %mul3A_47 = arith.mulf %get3A_44, %mul3A_46 : vector<16x512xf32>
      %add3A_48 = arith.constant 1.000000e-10 : f32
      %add3A_49 = vector.broadcast %add3A_48 : f32 to vector<16x512xf32>
      %add3A_50 = arith.addf %mul3A_47, %add3A_49 : vector<16x512xf32>
      %log3A = math.log %add3A_50 : vector<16x512xf32>
      %mul3A_51 = arith.mulf %mul3A_47, %log3A : vector<16x512xf32>
      %reduce_sum3A_52 = vector.shape_cast %mul3A_51 : vector<16x512xf32> to vector<1x16x512xf32>
      %reduce_sum3A_53 = arith.constant dense<0.000000e+00> : vector<1xf32>
      %reduce_sum3A_54 = vector.multi_reduction <add>, %reduce_sum3A_52, %reduce_sum3A_53 [1, 2] : vector<1x16x512xf32> to vector<1xf32>
      %reduce_sum3A_55 = vector.shape_cast %reduce_sum3A_54 : vector<1xf32> to vector<1x1x1xf32>
      %reduce_sum3A_56 = vector.extract %reduce_sum3A_55[0, 0, 0] : f32 from vector<1x1x1xf32>
      %neg3A = arith.constant 0.000000e+00 : f32
      %neg3A_57 = arith.subf %neg3A, %reduce_sum3A_56 : f32
      %exp3A = math.exp %neg3A_57 : f32
      %broadcast_in_dim3A_58 = vector.broadcast %exp3A : f32 to vector<8x128xf32>
      %swap3A_59 = arith.constant 0 : index
      %swap3A_60 = arith.constant 0 : index
      %swap3A_61 = vector.load %arg8[%swap3A_59, %swap3A_60] : memref<8x128xf32, #tpu.memory_space<vmem>>, vector<8x128xf32>
      tpu.vector_store %arg8[%swap3A_59, %swap3A_60], %broadcast_in_dim3A_58 {strides = array<i32>} : memref<8x128xf32, #tpu.memory_space<vmem>>, vector<8x128xf32>,
    } else {
    }
    return
  }
  func.func @transform_0(%arg0: i32, %arg1: i32) -> (i32, i32, i32) {
    %c0_i32 = arith.constant 0 : i32
    %c0_i32_0 = arith.constant 0 : i32
    %c0_i32_1 = arith.constant 0 : i32
    return %arg0, %c0_i32, %c0_i32_0 : i32, i32, i32
  }
  func.func @transform_1(%arg0: i32, %arg1: i32) -> (i32, i32) {
    %c0_i32 = arith.constant 0 : i32
    %c0_i32_0 = arith.constant 0 : i32
    return %arg0, %c0_i32 : i32, i32
  }
  func.func @transform_2(%arg0: i32, %arg1: i32) -> (i32, i32) {
    %c0_i32 = arith.constant 0 : i32
    %c0_i32_0 = arith.constant 0 : i32
    return %arg0, %c0_i32 : i32, i32
  }
  func.func @transform_3(%arg0: i32, %arg1: i32) -> (i32, i32) {
    %c0_i32 = arith.constant 0 : i32
    return %arg0, %arg1 : i32, i32
  }
  func.func @transform_4(%arg0: i32, %arg1: i32) -> (i32, i32) {
    %c0_i32 = arith.constant 0 : i32
    %c0_i32_0 = arith.constant 0 : i32
    return %arg0, %c0_i32 : i32, i32
  }
  func.func @transform_5(%arg0: i32, %arg1: i32) -> (i32, i32) {
    %c0_i32 = arith.constant 0 : i32
    %c0_i32_0 = arith.constant 0 : i32
    %c0_i32_1 = arith.constant 0 : i32
    return %c0_i32, %c0_i32_0 : i32, i32
  }
  func.func @transform_6(%arg0: i32, %arg1: i32) -> (i32, i32) {
    %c0_i32 = arith.constant 0 : i32
    %c0_i32_0 = arith.constant 0 : i32
    %c0_i32_1 = arith.constant 0 : i32
    return %c0_i32, %c0_i32_0 : i32, i32
  }
}

</mosaic_0001>

<sc_bundles>
// kernel: kernel.5.cloned.1.call-start
scs
__scs_entry_jumppad:
0x0: {  	(pc) =	sbr.rel $0x88, $3  }
0x1: {  	(tag) =	ssettag $0x0;
	lr =	simm.s32 $0x1  }
0x2: {  	[smem:$0x3F9F] =	sst lr;
	_ =	strace $0xD0000000  }
0x3: {  	_ = 	snop  }
0x4: {  	_ = 	snop  }
0x5: {  	_ = 	snop  }
0x6: {  	_ = 	snop  }
0x7: {  	_ = 	snop  }
__scs_overlays_trampoline_lowered:
0x8: {  	[smem:$0x3FAE] =	sst s0  }
0x9: {  	[smem:$0x3FAF] =	sst s1  }
0xa: {  	[smem:$0x3FB0] =	sst s2  }
0xb: {  	[smem:$0x3FB1] =	sst s3  }
0xc: {  	[smem:$0x3FB2] =	sst s4  }
0xd: {  	[smem:$0x3FB3] =	sst s5  }
0xe: {  	[smem:$0x3FB4] =	sst s6  }
0xf: {  	[smem:$0x3FB5] =	sst s7  }
0x10: {  	[smem:$0x3FB6] =	sst s8  }
0x11: {  	[smem:$0x3FB7] =	sst s9;
	s0 =	simm.s32 @!p0 $0x0  }
0x12: {  	s1 =	sld [smem:$0x3F9D];
	s0 =	simm.s32 @p0 $0x1  }
0x13: {  	[smem:$0x3FB8] =	sst s0;
	s0 =	simm.s32 @!p1 $0x0  }
0x14: {  	s2 =	sld [smem:$0x3F9C];
	s0 =	simm.s32 @p1 $0x1  }
0x15: {  	[smem:$0x3FB9] =	sst s0;
	s0 =	simm.s32 @!p2 $0x0  }
0x16: {  	s3 =	sld [smem:$0x3FDB];
	s0 =	simm.s32 @p2 $0x1  }
0x17: {  	s4 =	simm.s32 $0x1BF5;
	[smem:$0x3FBB] =	sst s0  }
0x18: {  	s0 =	sld [smem:$0x3F9E];
	_ =	swait.ge [sflag:s4], $0x0  }
0x19: {  	s7 =	sld [smem:$0x3F9F]  }
0x1a: {  	s8 =	sadd.s32 $0xFFFFE003, lr  }
0x1b: {  	s9 =	sadd.s32 $0xFFFFFEF7, lr;
	s5 =	simm.s32 $0xFFFFFFFF;
	p2 =	slt.u32 s8, $0xFFFFF086  }
0x1c: {  	p1 =	slt.u32 s9, $0xF7A;
	s5 =	simm.s32 @!p2 $0x0  }
0x1d: {  	s5 =	simm.s32 @p1 $0x1;
	p0 =	seq.s32 s7, s2  }
0x1e: {  	s7 =	smul.u32 @!p0 $0xF7A, s2;
	p2 =	seq.s32 @!p0 s5, $0x0  }
0x1f: {  	s9 =	smul.u32 $0xF7A, s1;
	s8 =	simm.s32 @!p0 $0x1BF5;
	p2 =	por !p2, p0  }
0x20: {  	[sflag:s8] =	ssyncset.s32 @!p0 $0xFFFFF086;
	s6 =	sadd.s32 @!p0 s3, s7;
	s7 =	simm.s32 @!p0 $0x108  }
0x21: {  	s3 =	sadd.s32 s3, s9;
	s6 =	sadd.s32 @!p0 $0x88, s6;
	s7 =	simm.s32 @p2 $0x1082  }
0x22: {  	[simem:s7], [sflag:s8] =	dma.local @!p0 [hbm:s6], $0xF7A  }
0x23: {  	s9 =	sor.u32 $0xD0000000, s2;
	s6 =	simm.s32 $0x108;
	_ =	swait.ge @!p0 [sflag:s8], $0x0  }
0x24: {  	s3 =	sadd.s32 $0x88, s3;
	s6 =	simm.s32 @!p1 $0x1082;
	[sflag:s4] =	ssyncset.s32 $0xFFFFF086  }
0x25: {  	[simem:s6], [sflag:s4] =	dma.local [hbm:s3], $0xF7A  }
0x26: {  	[smem:$0x3F9F] =	sst s1;
	(tag) =	ssettag s2;
	_ =	strace s9  }
0x27: {  	s1 =	sld [smem:$0x3FAF]  }
0x28: {  	s2 =	sld [smem:$0x3FB0]  }
0x29: {  	s4 =	sld [smem:$0x3FB2]  }
0x2a: {  	p0 =	seq.s32 s5, $0x0;
	s5 =	sld [smem:$0x3FB3]  }
0x2b: {  	s6 =	sld [smem:$0x3FB4]  }
0x2c: {  	s7 =	sld [smem:$0x3FB5]  }
0x2d: {  	s3 =	simm.s32 $0x108;
	s8 =	sld [smem:$0x3FB6]  }
0x2e: {  	s3 =	simm.s32 @!p0 $0x1082;
	s9 =	sld [smem:$0x3FB7]  }
0x2f: {  	lr =	sadd.s32 s0, s3;
	s0 =	sld [smem:$0x3FAE]  }
0x30: {  	s3 =	sld [smem:$0x3FB1]  }
0x31: {  	[smem:$0x3FBA] =	sst s10  }
0x32: {  	s10 =	sld [smem:$0x3FB8];
	_ =	sdelay $0x3  }
0x33: {  	p0 =	seq.s32 s10, $0x1;
	s10 =	sld [smem:$0x3FBA];
	_ =	sdelay $0x3  }
0x34: {  	[smem:$0x3FBA] =	sst s10  }
0x35: {  	s10 =	sld [smem:$0x3FB9];
	_ =	sdelay $0x3  }
0x36: {  	p1 =	seq.s32 s10, $0x1;
	s10 =	sld [smem:$0x3FBA];
	_ =	sdelay $0x3  }
0x37: {  	[smem:$0x3FBA] =	sst s10  }
0x38: {  	s10 =	sld [smem:$0x3FBB]  }
0x39: {  	_ = 	snop;
	(pc) =	sbr.ind lr, $3  }
0x3a: {  	_ = 	snop  }
0x3b: {  	_ = 	snop  }
0x3c: {  	p2 =	seq.s32 s10, $0x1;
	s10 =	sld [smem:$0x3FBA]  }
0x3d: {  	_ =	shalt  }
0x3e: {  	_ =	shalt  }
0x3f: {  	_ =	shalt  }
0x40: {  	_ =	shalt  }
0x41: {  	_ =	shalt  }
0x42: {  	_ =	shalt  }
0x43: {  	_ =	shalt  }
0x44: {  	_ =	shalt  }
0x45: {  	_ =	shalt  }
0x46: {  	_ =	shalt  }
0x47: {  	_ =	shalt  }
0x48: {  	_ =	shalt  }
0x49: {  	_ =	shalt  }
0x4a: {  	_ =	shalt  }
0x4b: {  	_ =	shalt  }
0x4c: {  	_ =	shalt  }
0x4d: {  	_ =	shalt  }
0x4e: {  	_ =	shalt  }
0x4f: {  	_ =	shalt  }
0x50: {  	_ =	shalt  }
0x51: {  	_ =	shalt  }
0x52: {  	_ =	shalt  }
0x53: {  	_ =	shalt  }
0x54: {  	_ =	shalt  }
0x55: {  	_ =	shalt  }
0x56: {  	_ =	shalt  }
0x57: {  	_ =	shalt  }
0x58: {  	_ =	shalt  }
0x59: {  	_ =	shalt  }
0x5a: {  	_ =	shalt  }
0x5b: {  	_ =	shalt  }
0x5c: {  	_ =	shalt  }
0x5d: {  	_ =	shalt  }
0x5e: {  	_ =	shalt  }
0x5f: {  	_ =	shalt  }
0x60: {  	_ =	shalt  }
0x61: {  	_ =	shalt  }
0x62: {  	_ =	shalt  }
0x63: {  	_ =	shalt  }
0x64: {  	_ =	shalt  }
0x65: {  	_ =	shalt  }
0x66: {  	_ =	shalt  }
0x67: {  	_ =	shalt  }
0x68: {  	_ =	shalt  }
0x69: {  	_ =	shalt  }
0x6a: {  	_ =	shalt  }
0x6b: {  	_ =	shalt  }
0x6c: {  	_ =	shalt  }
0x6d: {  	_ =	shalt  }
0x6e: {  	_ =	shalt  }
0x6f: {  	_ =	shalt  }
0x70: {  	_ =	shalt  }
0x71: {  	_ =	shalt  }
0x72: {  	_ =	shalt  }
0x73: {  	_ =	shalt  }
0x74: {  	_ =	shalt  }
0x75: {  	_ =	shalt  }
0x76: {  	_ =	shalt  }
0x77: {  	_ =	shalt  }
0x78: {  	_ =	shalt  }
0x79: {  	_ =	shalt  }
0x7a: {  	_ =	shalt  }
0x7b: {  	_ =	shalt  }
0x7c: {  	_ =	shalt  }
0x7d: {  	_ =	shalt  }
0x7e: {  	_ =	shalt  }
0x7f: {  	_ =	shalt  }
0x80: {  	_ =	shalt  }
0x81: {  	_ =	shalt  }
0x82: {  	_ =	shalt  }
0x83: {  	_ =	shalt  }
0x84: {  	_ =	shalt  }
0x85: {  	_ =	shalt  }
0x86: {  	_ =	shalt  }
0x87: {  	_ =	shalt  }
.Lfunc_end0:
.L_simem_size_0:
called_computation_lowered:
.L_overlay_start_0:
0x88: {  	s2 =	sld [smem:$0x3FD9]  }
0x89: {  	s3 =	sld [smem:$0x3FFE];
	_ =	sdelay $0x1  }
0x8a: {  	s1 =	srdreg.scid  }
0x8b: {  	s0 =	sand.u32 $0x1, s1  }
0x8c: {  	s15 =	sshll.u32 s0, $0xA;
	s2 =	sadd.s32 s3, s2  }
0x8d: {  	s2 =	sadd.s32 s2, s15  }
0x8e: {  	[smem:$0x3FC6] =	sst s2  }
0x8f: {  	_ = 	snop  }
0x90: {  	s2 =	sld [smem:$0x3FD0];
	_ =	sdelay $0x2  }
0x91: {  	s4 =	simm.s32 $0xA;
	s5 =	simm.s32 $0x10;
	s16 =	sld [smem:$0x3FC8]  }
0x92: {  	[smem:s5], [sflag:s4] =	dma.local [hbm:s2], $0x1  }
0x93: {  	_ =	swait.eq [sflag:s4], $0x1  }
0x94: {  	[sflag:s4] =	ssyncset.done $0x0  }
0x95: {  	s17 =	sld [smem:$0x11];
	[sflag:s4] =	ssyncadd.s32 $0xFFFFFFFF  }
0x96: {  	s18 =	sld [smem:$0x14];
	(tm) =	ssettm $0x1  }
0x97: {  	s19 =	sld [smem:$0x3FFB];
	_ =	sdelay $0x3  }
0x98: {  	_ =	strace s19  }
0x99: {  	s5 =	sld [smem:$0x3FFC];
	_ =	sdelay $0x3  }
0x9a: {  	_ =	strace s5  }
0x9b: {  	s5 =	sld [smem:$0x3FFD];
	_ =	sdelay $0x3  }
0x9c: {  	_ =	strace s5  }
0x9d: {  	_ =	strace $0x8FFFFFFF  }
0x9e: {  	s20 =	sld [smem:$0x3FDB];
	_ =	sdelay $0x1  }
0x9f: {  	s6 =	simm.s32 $_scs_section_size  }
0xa0: {  	s7 =	simm.s32 $_size__tile_overlayer_lowered;
	s8 =	simm.s32 $_tile_overlayer_lowered  }
0xa1: {  	s23 =	simm.s32 $0x1BFF;
	s22 =	sshll.u32 s8, $0x1;
	s5 =	sadd.s32 s6, s20  }
0xa2: {  	s9 =	simm.s32 $0x0;
	s21 =	sshll.u32 s7, $0x1;
	s7 =	sadd.s32 s22, s5  }
0xa3: {  	[timem:s9], [sflag:s23] =	dma.local [hbm:s7], s21  }
0xa4: {  	_ =	swait.ge [sflag:s23], s21  }
0xa5: {  	s6 =	ssub.s32 $0x0, s21;
	[sflag:s23] =	ssyncset.done $0x0  }
0xa6: {  	[sflag:s23] =	ssyncadd.s32 s6;
	_ =	sdelay $0x1  }
0xa7: {  	s24 =	simm.s32 $0x1B8B  }
0xa8: {  	_ =	swait.ge [sflag:s24], $0x1  }
0xa9: {  	[sflag:s24] =	ssyncset.done $0x0  }
0xaa: {  	s25 =	simm.s32 $0x1B8E;
	[sflag:s24] =	ssyncadd.s32 $0xFFFFFFFF  }
0xab: {  	s26 =	simm.s32 $execute0_lowered;
	[smem:$0x3FD2] =	sst s25  }
0xac: {  	s6 =	sshll.u32 s26, $0x1;
	_ =	strace $0x80000046;
	[dreg:$0x1] =	wrdreg $0xFFFFFFFF  }
0xad: {  	s28 =	simm.s32 $_size_execute0_lowered;
	s5 =	sadd.s32 s5, s6;
	[dreg:$0x0] =	wrdreg $0x0  }
0xae: {  	s6 =	sshll.u32 s28, $0x1;
	[dreg:$0x2] =	wrdreg s5  }
0xaf: {  	[dreg:$0x3] =	wrdreg s6  }
0xb0: {  	[dreg:$0x4] =	wrdreg $0xC0  }
0xb1: {  	_ =	task [dreg:s9], $0x5FFFF  }
0xb2: {  	[dreg:$0x1] =	wrdreg $0xFFFFFFFF  }
0xb3: {  	[dreg:$0x0] =	wrdreg $0x60  }
0xb4: {  	[dreg:$0x2] =	wrdreg s16  }
0xb5: {  	[dreg:$0x3] =	wrdreg s18  }
0xb6: {  	[dreg:$0x4] =	wrdreg s17  }
0xb7: {  	[dreg:$0x5] =	wrdreg $0x9  }
0xb8: {  	_ =	task.clear_ibuf [dreg:s9], $0x6FFFF;
	_ =	strace $0x90000046  }
0xb9: {  	s29 =	simm.s32 $0x9;
	_ =	strace $0x80000048  }
0xba: {  	_ =	swait.ge [sflag:s29], $0x1  }
0xbb: {  	[sflag:s29] =	ssyncadd.s32 $0xFFFFFFFF  }
0xbc: {  	_ =	strace $0x90000048  }
0xbd: {  	_ =	sfence  }
0xbe: {  	s30 =	sld [smem:$0x0];
	_ =	sdelay $0x2  }
0xbf: {  	s31 =	sshll.u32 s1, $0xD;
	s1 =	sshrl.u32 s1, $0x2  }
0xc0: {  	s3 =	sand.u32 $0x4000, s31;
	s1 =	sadd.s32 s1, s30  }
0xc1: {  	s0 =	sor.u32 s3, s0;
	s1 =	sshll.u32 s1, $0x11  }
0xc2: {  	s0 =	sor.u32 s1, s0  }
0xc3: {  	s0 =	sadd.s32 $0x8F2B, s0  }
0xc4: {  	[sflag:s0] =	ssyncadd.remote.s32 $0x1  }
0xc5: {  	_ =	sfence.sel $0xFFFF  }
0xc6: {  	[dreg:$0x0] =	wrdreg $0xFFFFFFFF;
	(pc) =	sbr.abs _section_cstart, $3  }
0xc7: {  	[dreg:$0x1] =	wrdreg $0xFFFFFFFF  }
0xc8: {  	_ =	task.clear_ibuf [dreg:s9], $0x2FFFF;
	_ =	strace $0x9FFFFFFF  }
0xc9: {  	(tm) =	ssettm $0x7FFFFFFF  }
tec
execute0_lowered:
.L_overlay_start_1:
0x0: {  	(tag) =	ssettag $0x1  }
0x1: {  	s1 =	rddreg [dreg:$0x0];
	s2 =	srdreg.scid  }
0x2: {  	s4 =	rddreg [dreg:$0x1];
	s0 =	stileid.u32  }
0x3: {  	s5 =	rddreg [dreg:$0x2];
	s3 =	simm.s32 $0x0;
	s18 =	simm.s32 $0x900  }
0x4: {  	s19 =	simm.s32 $0x1100;
	s20 =	simm.s32 $0x1900;
	s21 =	simm.s32 $0x2100  }
0x5: {  	s22 =	simm.s32 $0x2900;
	s24 =	simm.s32 $0x3100;
	s25 =	simm.s32 $0x3900  }
0x6: {  	s26 =	simm.s32 $0x4100;
	s9 =	simm.s32 $0x5100;
	s10 =	simm.s32 $0x5900  }
0x7: {  	s11 =	simm.s32 $0x6100;
	s12 =	simm.s32 $0x6900;
	[smem:$0x7FF] =	sst s3  }
0x8: {  	s13 =	simm.s32 $0x7100;
	_ =	strace $0x80000047;
	[dreg:$0x6] =	wrdreg s18  }
0x9: {  	s14 =	simm.s32 $0x7900;
	s15 =	simm.s32 $0x1;
	[dreg:$0x7] =	wrdreg s19  }
0xa: {  	s16 =	simm.s32 $0x8100;
	s17 =	simm.s32 $0x8900;
	[dreg:$0x8] =	wrdreg s20  }
0xb: {  	s28 =	simm.s32 $0xD900;
	s29 =	simm.s32 $0xE100;
	[dreg:$0x9] =	wrdreg s21  }
0xc: {  	s30 =	simm.s32 $0xE900;
	s31 =	simm.s32 $0xF100;
	[dreg:$0xa] =	wrdreg s22  }
0xd: {  	s2 =	sand.u32 $0x1, s2;
	s6 =	sshll.u32 s0, $0x9;
	[dreg:$0xb] =	wrdreg s24  }
0xe: {  	s7 =	sshll.u32 s2, $0x8;
	s2 =	ssub.s32 $0x2, s2;
	[dreg:$0xc] =	wrdreg s25  }
0xf: {  	[dreg:$0xd] =	wrdreg s26;
	s18 =	simm.s32 $0x9100;
	s19 =	simm.s32 $0x9900  }
0x10: {  	s20 =	simm.s32 $0xA100;
	s21 =	simm.s32 $0xA900;
	s22 =	simm.s32 $0xB100  }
0x11: {  	s24 =	simm.s32 $0xC100;
	s25 =	simm.s32 $0xC900;
	s6 =	sor.u32 s7, s6  }
0x12: {  	s26 =	simm.s32 $0xD100;
	s23 =	sshrl.u32 s2, $0x1;
	s7 =	sshrl.u32 s6, $0x3  }
0x13: {  	s6 =	sshll.u32 s6, $0x5;
	s2 =	ssub.s32 s2, s23;
	s23 =	simm.s32 $0xB900  }
0x14: {  	v2 =	vlaneseq.u32;
	s7 =	sadd.s32 s4, s7;
	s4 =	sadd.s32 s5, s6;
	s6 =	simm.s32 $0x2  }
0x15: {  	vm0 =	vmmov $0xffff;
	v1 =	vshrl.u32 v2, $0x3;
	[dreg:$0x4] =	wrdreg s7;
	s5 =	sadd.s32 $0x1000, s4;
	s7 =	simm.s32 $0x100  }
0x16: {  	v0 =	vand.u32 $0x7, v2;
	v2 =	vor.u32 $0x8, v2;
	v1 =	vmul.u32 $0x8, v1;
	[dreg:$0x5] =	wrdreg s5;
	s5 =	smax.u32 s2, $0x1;
	s2 =	simm.s32 $0xF900  }
.LBB2_1:
0x17: {  	s0 =	rddreg [dreg:$0x4]  }
0x18: {  	[tilespmem:s3], [sflag:$0x2] =	stream.linear.gather [hbm4b:s0+s3], $0x100, $0x38;
	[tilespmem:$0x10100] =	vst v63  }
0x19: {  	_ =	swait.ge [sflag:s6], $0x100  }
0x1a: {  	[sflag:s6] =	ssyncset.done $0x0  }
0x1b: {  	[sflag:s6] =	ssyncadd.s32 $0xFFFFFF00  }
0x1c: {  	v3 =	vld [tilespmem:$0x0];
	_ =	sdelay $0x4  }
0x1d: {  	v4 =	vshll.u32 v3, $0x1  }
0x1e: {  	v3 =	vand.u32 $0x7, v3;
	v4 =	vand.u32 $0xFFFFFFF0, v4  }
0x1f: {  	v3 =	vor.u32 v3, v4  }
0x20: {  	v4 =	vperm.xlane v3, v0;
	_ =	sdelay $0x1  }
0x21: {  	v3 =	vperm.xlane v3, v2;
	v4 =	vadd.s32 v1, v4;
	_ =	sdelay $0x1  }
0x22: {  	v3 =	vadd.s32 v1, v3;
	_ =	sdelay $0x2  }
0x23: {  	[tilespmem:s7], [sflag:$0x1] =	stream.indirect_vreg.gather [hbm4b:s1+s3], $0x80, v4, vm0, $0xb8;
	[tilespmem:$0x10100] =	vst v63  }
0x24: {  	s8 =	rddreg [dreg:$0x6]  }
0x25: {  	[tilespmem:s8], [sflag:$0x1] =	stream.indirect_vreg.gather [hbm4b:s1+s3], $0x80, v3, vm0, $0xb8;
	[tilespmem:$0x10100] =	vst v63  }
0x26: {  	v3 =	vld [tilespmem:$0x10];
	_ =	sdelay $0x4  }
0x27: {  	v49 =	vshll.u32 v3, $0x1  }
0x28: {  	v3 =	vand.u32 $0x7, v3;
	v4 =	vand.u32 $0xFFFFFFF0, v49  }
0x29: {  	v3 =	vor.u32 v3, v4  }
0x2a: {  	v4 =	vperm.xlane v3, v0;
	_ =	sdelay $0x1  }
0x2b: {  	v3 =	vperm.xlane v3, v2;
	v4 =	vadd.s32 v1, v4;
	_ =	sdelay $0x1  }
0x2c: {  	v3 =	vadd.s32 v1, v3;
	_ =	sdelay $0x1  }
0x2d: {  	s0 =	rddreg [dreg:$0x7]  }
0x2e: {  	[tilespmem:s0], [sflag:$0x1] =	stream.indirect_vreg.gather [hbm4b:s1+s3], $0x80, v4, vm0, $0xb8;
	[tilespmem:$0x10100] =	vst v63  }
0x2f: {  	s8 =	rddreg [dreg:$0x8]  }
0x30: {  	[tilespmem:s8], [sflag:$0x1] =	stream.indirect_vreg.gather [hbm4b:s1+s3], $0x80, v3, vm0, $0xb8;
	[tilespmem:$0x10100] =	vst v63  }
0x31: {  	v3 =	vld [tilespmem:$0x20];
	_ =	sdelay $0x4  }
0x32: {  	v50 =	vshll.u32 v3, $0x1  }
0x33: {  	v3 =	vand.u32 $0x7, v3;
	v4 =	vand.u32 $0xFFFFFFF0, v50  }
0x34: {  	v3 =	vor.u32 v3, v4  }
0x35: {  	v4 =	vperm.xlane v3, v0;
	_ =	sdelay $0x1  }
0x36: {  	v3 =	vperm.xlane v3, v2;
	v4 =	vadd.s32 v1, v4;
	_ =	sdelay $0x1  }
0x37: {  	v3 =	vadd.s32 v1, v3;
	_ =	sdelay $0x1  }
0x38: {  	s0 =	rddreg [dreg:$0x9]  }
0x39: {  	[tilespmem:s0], [sflag:$0x1] =	stream.indirect_vreg.gather [hbm4b:s1+s3], $0x80, v4, vm0, $0xb8;
	[tilespmem:$0x10100] =	vst v63  }
0x3a: {  	s8 =	rddreg [dreg:$0xa]  }
0x3b: {  	[tilespmem:s8], [sflag:$0x1] =	stream.indirect_vreg.gather [hbm4b:s1+s3], $0x80, v3, vm0, $0xb8;
	[tilespmem:$0x10100] =	vst v63  }
0x3c: {  	v3 =	vld [tilespmem:$0x30];
	_ =	sdelay $0x4  }
0x3d: {  	v51 =	vshll.u32 v3, $0x1  }
0x3e: {  	v3 =	vand.u32 $0x7, v3;
	v4 =	vand.u32 $0xFFFFFFF0, v51  }
0x3f: {  	v3 =	vor.u32 v3, v4  }
0x40: {  	v4 =	vperm.xlane v3, v0;
	_ =	sdelay $0x1  }
0x41: {  	v3 =	vperm.xlane v3, v2;
	v4 =	vadd.s32 v1, v4;
	_ =	sdelay $0x1  }
0x42: {  	v3 =	vadd.s32 v1, v3;
	_ =	sdelay $0x1  }
0x43: {  	s0 =	rddreg [dreg:$0xb]  }
0x44: {  	[tilespmem:s0], [sflag:$0x1] =	stream.indirect_vreg.gather [hbm4b:s1+s3], $0x80, v4, vm0, $0xb8;
	[tilespmem:$0x10100] =	vst v63  }
0x45: {  	s8 =	rddreg [dreg:$0xc]  }
0x46: {  	[tilespmem:s8], [sflag:$0x1] =	stream.indirect_vreg.gather [hbm4b:s1+s3], $0x80, v3, vm0, $0xb8;
	[tilespmem:$0x10100] =	vst v63  }
0x47: {  	v3 =	vld [tilespmem:$0x40];
	_ =	sdelay $0x4  }
0x48: {  	v52 =	vshll.u32 v3, $0x1  }
0x49: {  	v3 =	vand.u32 $0x7, v3;
	v4 =	vand.u32 $0xFFFFFFF0, v52  }
0x4a: {  	v3 =	vor.u32 v3, v4  }
0x4b: {  	v4 =	vperm.xlane v3, v0;
	_ =	sdelay $0x1  }
0x4c: {  	v3 =	vperm.xlane v3, v2;
	v4 =	vadd.s32 v1, v4;
	_ =	sdelay $0x1  }
0x4d: {  	v3 =	vadd.s32 v1, v3;
	_ =	sdelay $0x1  }
0x4e: {  	s8 =	rddreg [dreg:$0xd]  }
0x4f: {  	[tilespmem:s8], [sflag:$0x1] =	stream.indirect_vreg.gather [hbm4b:s1+s3], $0x80, v4, vm0, $0xb8;
	[tilespmem:$0x10100] =	vst v63  }
0x50: {  	s8 =	simm.s32 $0x4900  }
0x51: {  	[tilespmem:s8], [sflag:$0x1] =	stream.indirect_vreg.gather [hbm4b:s1+s3], $0x80, v3, vm0, $0xb8;
	[tilespmem:$0x10100] =	vst v63  }
0x52: {  	v3 =	vld [tilespmem:$0x50];
	_ =	sdelay $0x4  }
0x53: {  	v53 =	vshll.u32 v3, $0x1  }
0x54: {  	v3 =	vand.u32 $0x7, v3;
	v4 =	vand.u32 $0xFFFFFFF0, v53  }
0x55: {  	v3 =	vor.u32 v3, v4  }
0x56: {  	v4 =	vperm.xlane v3, v0;
	_ =	sdelay $0x1  }
0x57: {  	v3 =	vperm.xlane v3, v2;
	v4 =	vadd.s32 v1, v4;
	_ =	sdelay $0x1  }
0x58: {  	v3 =	vadd.s32 v1, v3;
	_ =	sdelay $0x2  }
0x59: {  	[tilespmem:s9], [sflag:$0x1] =	stream.indirect_vreg.gather [hbm4b:s1+s3], $0x80, v4, vm0, $0xb8;
	[tilespmem:$0x10100] =	vst v63  }
0x5a: {  	_ = 	snop  }
0x5b: {  	[tilespmem:s10], [sflag:$0x1] =	stream.indirect_vreg.gather [hbm4b:s1+s3], $0x80, v3, vm0, $0xb8;
	[tilespmem:$0x10100] =	vst v63  }
0x5c: {  	v3 =	vld [tilespmem:$0x60];
	_ =	sdelay $0x4  }
0x5d: {  	v54 =	vshll.u32 v3, $0x1  }
0x5e: {  	v3 =	vand.u32 $0x7, v3;
	v4 =	vand.u32 $0xFFFFFFF0, v54  }
0x5f: {  	v3 =	vor.u32 v3, v4  }
0x60: {  	v4 =	vperm.xlane v3, v0;
	_ =	sdelay $0x1  }
0x61: {  	v3 =	vperm.xlane v3, v2;
	v4 =	vadd.s32 v1, v4;
	_ =	sdelay $0x1  }
0x62: {  	v3 =	vadd.s32 v1, v3;
	_ =	sdelay $0x2  }
0x63: {  	[tilespmem:s11], [sflag:$0x1] =	stream.indirect_vreg.gather [hbm4b:s1+s3], $0x80, v4, vm0, $0xb8;
	[tilespmem:$0x10100] =	vst v63  }
0x64: {  	_ = 	snop  }
0x65: {  	[tilespmem:s12], [sflag:$0x1] =	stream.indirect_vreg.gather [hbm4b:s1+s3], $0x80, v3, vm0, $0xb8;
	[tilespmem:$0x10100] =	vst v63  }
0x66: {  	v3 =	vld [tilespmem:$0x70];
	_ =	sdelay $0x4  }
0x67: {  	v55 =	vshll.u32 v3, $0x1  }
0x68: {  	v3 =	vand.u32 $0x7, v3;
	v4 =	vand.u32 $0xFFFFFFF0, v55  }
0x69: {  	v3 =	vor.u32 v3, v4  }
0x6a: {  	v4 =	vperm.xlane v3, v0;
	_ =	sdelay $0x1  }
0x6b: {  	v3 =	vperm.xlane v3, v2;
	v4 =	vadd.s32 v1, v4;
	_ =	sdelay $0x1  }
0x6c: {  	v3 =	vadd.s32 v1, v3;
	_ =	sdelay $0x2  }
0x6d: {  	[tilespmem:s13], [sflag:$0x1] =	stream.indirect_vreg.gather [hbm4b:s1+s3], $0x80, v4, vm0, $0xb8;
	[tilespmem:$0x10100] =	vst v63  }
0x6e: {  	_ = 	snop  }
0x6f: {  	[tilespmem:s14], [sflag:$0x1] =	stream.indirect_vreg.gather [hbm4b:s1+s3], $0x80, v3, vm0, $0xb8;
	[tilespmem:$0x10100] =	vst v63  }
0x70: {  	_ =	swait.ge [sflag:s15], $0x8000  }
0x71: {  	[sflag:s15] =	ssyncset.done $0x0  }
0x72: {  	[sflag:s15] =	ssyncadd.s32 $0xFFFF8000  }
0x73: {  	[hbm4b:s4+s3] =	stream.linear.scatter [tilespmem:s7], [sflag:$0x2], $0x8000, $0x38;
	[tilespmem:$0x10100] =	vst v63  }
0x74: {  	_ =	swait.ge [sflag:s6], $0x8000  }
0x75: {  	[sflag:s6] =	ssyncset.done $0x0  }
0x76: {  	[sflag:s6] =	ssyncadd.s32 $0xFFFF8000  }
0x77: {  	v3 =	vld [tilespmem:$0x80];
	_ =	sdelay $0x4  }
0x78: {  	v56 =	vshll.u32 v3, $0x1  }
0x79: {  	v3 =	vand.u32 $0x7, v3;
	v4 =	vand.u32 $0xFFFFFFF0, v56  }
0x7a: {  	v3 =	vor.u32 v3, v4  }
0x7b: {  	v4 =	vperm.xlane v3, v0;
	_ =	sdelay $0x1  }
0x7c: {  	v3 =	vperm.xlane v3, v2;
	v4 =	vadd.s32 v1, v4;
	_ =	sdelay $0x1  }
0x7d: {  	v3 =	vadd.s32 v1, v3;
	_ =	sdelay $0x2  }
0x7e: {  	[tilespmem:s16], [sflag:$0x1] =	stream.indirect_vreg.gather [hbm4b:s1+s3], $0x80, v4, vm0, $0xb8;
	[tilespmem:$0x10100] =	vst v63  }
0x7f: {  	_ = 	snop  }
0x80: {  	[tilespmem:s17], [sflag:$0x1] =	stream.indirect_vreg.gather [hbm4b:s1+s3], $0x80, v3, vm0, $0xb8;
	[tilespmem:$0x10100] =	vst v63  }
0x81: {  	v3 =	vld [tilespmem:$0x90];
	_ =	sdelay $0x4  }
0x82: {  	v57 =	vshll.u32 v3, $0x1  }
0x83: {  	v3 =	vand.u32 $0x7, v3;
	v4 =	vand.u32 $0xFFFFFFF0, v57  }
0x84: {  	v3 =	vor.u32 v3, v4  }
0x85: {  	v4 =	vperm.xlane v3, v0;
	_ =	sdelay $0x1  }
0x86: {  	v3 =	vperm.xlane v3, v2;
	v4 =	vadd.s32 v1, v4;
	_ =	sdelay $0x1  }
0x87: {  	v3 =	vadd.s32 v1, v3;
	_ =	sdelay $0x2  }
0x88: {  	[tilespmem:s18], [sflag:$0x1] =	stream.indirect_vreg.gather [hbm4b:s1+s3], $0x80, v4, vm0, $0xb8;
	[tilespmem:$0x10100] =	vst v63  }
0x89: {  	_ = 	snop  }
0x8a: {  	[tilespmem:s19], [sflag:$0x1] =	stream.indirect_vreg.gather [hbm4b:s1+s3], $0x80, v3, vm0, $0xb8;
	[tilespmem:$0x10100] =	vst v63  }
0x8b: {  	v3 =	vld [tilespmem:$0xA0];
	_ =	sdelay $0x4  }
0x8c: {  	v58 =	vshll.u32 v3, $0x1  }
0x8d: {  	v3 =	vand.u32 $0x7, v3;
	v4 =	vand.u32 $0xFFFFFFF0, v58  }
0x8e: {  	v3 =	vor.u32 v3, v4  }
0x8f: {  	v4 =	vperm.xlane v3, v0;
	_ =	sdelay $0x1  }
0x90: {  	v3 =	vperm.xlane v3, v2;
	v4 =	vadd.s32 v1, v4;
	_ =	sdelay $0x1  }
0x91: {  	v3 =	vadd.s32 v1, v3;
	_ =	sdelay $0x2  }
0x92: {  	[tilespmem:s20], [sflag:$0x1] =	stream.indirect_vreg.gather [hbm4b:s1+s3], $0x80, v4, vm0, $0xb8;
	[tilespmem:$0x10100] =	vst v63  }
0x93: {  	_ = 	snop  }
0x94: {  	[tilespmem:s21], [sflag:$0x1] =	stream.indirect_vreg.gather [hbm4b:s1+s3], $0x80, v3, vm0, $0xb8;
	[tilespmem:$0x10100] =	vst v63  }
0x95: {  	v3 =	vld [tilespmem:$0xB0];
	_ =	sdelay $0x4  }
0x96: {  	v59 =	vshll.u32 v3, $0x1  }
0x97: {  	v3 =	vand.u32 $0x7, v3;
	v4 =	vand.u32 $0xFFFFFFF0, v59  }
0x98: {  	v3 =	vor.u32 v3, v4  }
0x99: {  	v4 =	vperm.xlane v3, v0;
	_ =	sdelay $0x1  }
0x9a: {  	v3 =	vperm.xlane v3, v2;
	v4 =	vadd.s32 v1, v4;
	_ =	sdelay $0x1  }
0x9b: {  	v3 =	vadd.s32 v1, v3;
	_ =	sdelay $0x2  }
0x9c: {  	[tilespmem:s22], [sflag:$0x1] =	stream.indirect_vreg.gather [hbm4b:s1+s3], $0x80, v4, vm0, $0xb8;
	[tilespmem:$0x10100] =	vst v63  }
0x9d: {  	_ = 	snop  }
0x9e: {  	[tilespmem:s23], [sflag:$0x1] =	stream.indirect_vreg.gather [hbm4b:s1+s3], $0x80, v3, vm0, $0xb8;
	[tilespmem:$0x10100] =	vst v63  }
0x9f: {  	v3 =	vld [tilespmem:$0xC0];
	_ =	sdelay $0x4  }
0xa0: {  	v60 =	vshll.u32 v3, $0x1  }
0xa1: {  	v3 =	vand.u32 $0x7, v3;
	v4 =	vand.u32 $0xFFFFFFF0, v60  }
0xa2: {  	v3 =	vor.u32 v3, v4  }
0xa3: {  	v4 =	vperm.xlane v3, v0;
	_ =	sdelay $0x1  }
0xa4: {  	v3 =	vperm.xlane v3, v2;
	v4 =	vadd.s32 v1, v4;
	_ =	sdelay $0x1  }
0xa5: {  	v3 =	vadd.s32 v1, v3;
	_ =	sdelay $0x2  }
0xa6: {  	[tilespmem:s24], [sflag:$0x1] =	stream.indirect_vreg.gather [hbm4b:s1+s3], $0x80, v4, vm0, $0xb8;
	[tilespmem:$0x10100] =	vst v63  }
0xa7: {  	_ = 	snop  }
0xa8: {  	[tilespmem:s25], [sflag:$0x1] =	stream.indirect_vreg.gather [hbm4b:s1+s3], $0x80, v3, vm0, $0xb8;
	[tilespmem:$0x10100] =	vst v63  }
0xa9: {  	v3 =	vld [tilespmem:$0xD0];
	_ =	sdelay $0x4  }
0xaa: {  	v61 =	vshll.u32 v3, $0x1  }
0xab: {  	v3 =	vand.u32 $0x7, v3;
	v4 =	vand.u32 $0xFFFFFFF0, v61  }
0xac: {  	v3 =	vor.u32 v3, v4  }
0xad: {  	v4 =	vperm.xlane v3, v0;
	_ =	sdelay $0x1  }
0xae: {  	v3 =	vperm.xlane v3, v2;
	v4 =	vadd.s32 v1, v4;
	_ =	sdelay $0x1  }
0xaf: {  	v3 =	vadd.s32 v1, v3;
	_ =	sdelay $0x2  }
0xb0: {  	[tilespmem:s26], [sflag:$0x1] =	stream.indirect_vreg.gather [hbm4b:s1+s3], $0x80, v4, vm0, $0xb8;
	[tilespmem:$0x10100] =	vst v63  }
0xb1: {  	_ = 	snop  }
0xb2: {  	[tilespmem:s28], [sflag:$0x1] =	stream.indirect_vreg.gather [hbm4b:s1+s3], $0x80, v3, vm0, $0xb8;
	[tilespmem:$0x10100] =	vst v63  }
0xb3: {  	v3 =	vld [tilespmem:$0xE0];
	_ =	sdelay $0x4  }
0xb4: {  	v62 =	vshll.u32 v3, $0x1  }
0xb5: {  	v3 =	vand.u32 $0x7, v3;
	v4 =	vand.u32 $0xFFFFFFF0, v62  }
0xb6: {  	v3 =	vor.u32 v3, v4  }
0xb7: {  	v4 =	vperm.xlane v3, v0;
	_ =	sdelay $0x1  }
0xb8: {  	v3 =	vperm.xlane v3, v2;
	v4 =	vadd.s32 v1, v4;
	_ =	sdelay $0x1  }
0xb9: {  	v3 =	vadd.s32 v1, v3;
	_ =	sdelay $0x2  }
0xba: {  	[tilespmem:s29], [sflag:$0x1] =	stream.indirect_vreg.gather [hbm4b:s1+s3], $0x80, v4, vm0, $0xb8;
	[tilespmem:$0x10100] =	vst v63  }
0xbb: {  	_ = 	snop  }
0xbc: {  	[tilespmem:s30], [sflag:$0x1] =	stream.indirect_vreg.gather [hbm4b:s1+s3], $0x80, v3, vm0, $0xb8;
	[tilespmem:$0x10100] =	vst v63  }
0xbd: {  	v3 =	vld [tilespmem:$0xF0];
	_ =	sdelay $0x4  }
0xbe: {  	v63 =	vshll.u32 v3, $0x1  }
0xbf: {  	v3 =	vand.u32 $0x7, v3;
	v4 =	vand.u32 $0xFFFFFFF0, v63  }
0xc0: {  	v3 =	vor.u32 v3, v4  }
0xc1: {  	v4 =	vperm.xlane v3, v0;
	_ =	sdelay $0x1  }
0xc2: {  	v3 =	vperm.xlane v3, v2;
	v4 =	vadd.s32 v1, v4;
	_ =	sdelay $0x1  }
0xc3: {  	v3 =	vadd.s32 v1, v3;
	_ =	sdelay $0x2  }
0xc4: {  	[tilespmem:s31], [sflag:$0x1] =	stream.indirect_vreg.gather [hbm4b:s1+s3], $0x80, v4, vm0, $0xb8;
	[tilespmem:$0x10100] =	vst v63  }
0xc5: {  	_ = 	snop  }
0xc6: {  	[tilespmem:s2], [sflag:$0x1] =	stream.indirect_vreg.gather [hbm4b:s1+s3], $0x80, v3, vm0, $0xb8;
	[tilespmem:$0x10100] =	vst v63  }
0xc7: {  	_ =	swait.ge [sflag:s15], $0x8000  }
0xc8: {  	p0 =	sne.s32 s5, $0x1;
	[sflag:s15] =	ssyncset.done $0x0  }
.Ltmp0:
0xc9: {  	s8 =	rddreg [dreg:$0x5];
	[sflag:s15] =	ssyncadd.s32 $0xFFFF8000;
	(pc) =	sbr.rel @p0 .LBB2_1-.Ltmp0, $4  }
0xca: {  	[hbm4b:s8+s3] =	stream.linear.scatter [tilespmem:s16], [sflag:$0x2], $0x8000, $0x38;
	[tilespmem:$0x10100] =	vst v63  }
0xcb: {  	_ =	swait.ge [sflag:s6], $0x8000  }
0xcc: {  	[sflag:s6] =	ssyncset.done $0x0  }
0xcd: {  	s5 =	sadd.s32 $0xFFFFFFFF, s5;
	[sflag:s6] =	ssyncadd.s32 $0xFFFF8000  }
0xce: {  	_ =	sfence.sel $0x180000  }
0xcf: {  	[bflag:$0x0] =	sbarrier.arrive $0xFFFF  }
0xd0: {  	_ =	strace $0x90000047  }
0xd1: {  	s0 =	stileid.u32;
	[bflag:$0x2] =	sbarrier.arrive $0xFFFF  }
0xd2: {  	p0 =	sne.s32 s0, $0x0;
	s0 =	rddreg [dreg:$0x3]  }
0xd3: {  	s0 =	sadd.s32 @!p0 $0x100000, s0  }
0xd4: {  	[sflag:s0] =	ssyncadd.tile.s32 @!p0 $0x1;
	_ =	shalt  }
.Lfunc_end2:
_tile_overlayer_lowered:
.L_overlay_start_2:
0xd5: {  	(tag) =	ssettag $0x2  }
0xd6: {  	s0 =	rddreg [dreg:$0x0];
	s2 =	stileid.u32  }
0xd7: {  	s1 =	rddreg [dreg:$0x1];
	p0 =	sne.s32 s2, $0x0  }
0xd8: {  	s3 =	rddreg [dreg:$0x2];
	[bflag:$0x3] =	sbarrier.arrive $0xFFFF;
	s2 =	simm.s32 @!p0 $0x1C02  }
0xd9: {  	[timem:s3], [sflag:s2] =	dma.local @!p0 [hbm:s0], s1  }
0xda: {  	s0 =	simm.s32 @!p0 $0x2  }
0xdb: {  	_ =	swait.ge @!p0 [sflag:s0], s1  }
0xdc: {  	s1 =	ssub.s32 @!p0 $0x0, s1;
	[sflag:s0] =	ssyncset.done @!p0 $0x0  }
0xdd: {  	[sflag:s0] =	ssyncadd.s32 @!p0 s1  }
0xde: {  	[bflag:$0x3] =	sbarrier.arrive $0xFFFF  }
0xdf: {  	_ =	shalt  }

</sc_bundles>
